<compile_context>
chip_gen: v7x
topology: tpu7x:2x2x1
jax: 0.10.2.dev20260603
libtpu: 0.0.44.dev20260713+nightly
codegen_flags: <defaults>
</compile_context>

<pallas_src>
import jax
import jax.numpy as jnp
from jax import lax
from jax.experimental import pallas as pl
from jax.experimental.pallas import tpu as pltpu
from jax.experimental.pallas import tpu_sc as plsc

S = 30.0
M = 0.4

_B = 1024
_C = 100000

_NW = 32
_ROWS_PW = _B // _NW
_CHUNK = 20000
_T = (_ROWS_PW * _C) // _CHUNK
_NBUF = 2
_VREGS = _CHUNK // 16


def _sc_body(cos_hbm, fp_hbm, out_hbm, fp_v, vals_v, *bufs_and_sems):
    bufin = bufs_and_sems[:_NBUF]
    bufout = bufs_and_sems[_NBUF:2 * _NBUF]
    in_sems = bufs_and_sems[2 * _NBUF]
    out_sems = bufs_and_sems[2 * _NBUF + 1]
    fix_sem = bufs_and_sems[2 * _NBUF + 2]

    wid = lax.axis_index("s") * 2 + lax.axis_index("c")
    base_row = wid * _ROWS_PW
    base_elem = base_row * _C

    pltpu.sync_copy(fp_hbm.at[pl.ds(base_row, _ROWS_PW)], fp_v)

    def start_in(t, b):
        pltpu.async_copy(
            cos_hbm.at[pl.ds(base_elem + t * _CHUNK, _CHUNK)],
            bufin[b],
            in_sems.at[b],
        )

    def wait_in(t, b):
        pltpu.make_async_copy(
            cos_hbm.at[pl.ds(base_elem + t * _CHUNK, _CHUNK)],
            bufin[b],
            in_sems.at[b],
        ).wait()

    def start_out(t, b):
        pltpu.async_copy(
            bufout[b],
            out_hbm.at[pl.ds(base_elem + t * _CHUNK, _CHUNK)],
            out_sems.at[b],
        )

    def wait_out(t, b):
        pltpu.make_async_copy(
            bufout[b],
            out_hbm.at[pl.ds(base_elem + t * _CHUNK, _CHUNK)],
            out_sems.at[b],
        ).wait()

    for b in range(_NBUF):
        start_in(b, b)

    def round_body(g, _):
        for b in range(_NBUF):
            t = g * _NBUF + b
            wait_in(t, b)

            @pl.when(g > 0)
            def _():
                wait_out(t - _NBUF, b)

            def vec_body(j, _):
                sl = pl.ds(j * 16, 16)
                bufout[b][sl] = bufin[b][sl] * S
                return 0

            lax.fori_loop(0, _VREGS, vec_body, 0, unroll=25)

            start_out(t, b)

            @pl.when(t + _NBUF < _T)
            def _():
                start_in(t + _NBUF, b)
        return 0

    lax.fori_loop(0, _T // _NBUF, round_body, 0)

    for b in range(_NBUF):
        wait_out(_T - _NBUF + b, b)

    pltpu.async_copy(out_hbm.at[fp_v], vals_v, fix_sem).wait()
    for k in range(_ROWS_PW // 16):
        sl = pl.ds(k * 16, 16)
        vals_v[sl] = vals_v[sl] - jnp.float32(S * M)
    pltpu.async_copy(vals_v, out_hbm.at[fp_v], fix_sem).wait()


@jax.jit
def kernel(cosine, label):
    B, C = cosine.shape
    cos_flat = cosine.reshape(B * C)
    flatpos = (jnp.arange(B, dtype=jnp.int32) * C + label.astype(jnp.int32))

    mesh = plsc.VectorSubcoreMesh(core_axis_name="c", subcore_axis_name="s")
    out_flat = pl.kernel(
        _sc_body,
        mesh=mesh,
        out_type=jax.ShapeDtypeStruct((B * C,), jnp.float32),
        scratch_types=(
            [pltpu.VMEM((_ROWS_PW,), jnp.int32), pltpu.VMEM((_ROWS_PW,), jnp.float32)]
            + [pltpu.VMEM((_CHUNK,), jnp.float32) for _ in range(2 * _NBUF)]
            + [
                pltpu.SemaphoreType.DMA((_NBUF,)),
                pltpu.SemaphoreType.DMA((_NBUF,)),
                pltpu.SemaphoreType.DMA,
            ]
        ),
    )(cos_flat, flatpos)
    return out_flat.reshape(B, C)

# --- scband reference (transcript-rebuilt; emitter-appended) ---
"""Pipeline reference for scband-margin-cosine-product-2078764171741 (READ-ONLY COPY).

The authoritative reference and input builder live on the scoring server;
editing this copy changes nothing except your own understanding.
"""

import jax, jax.numpy as jnp
import numpy as np

S = 30.0
M = 0.4

def setup_inputs(seed: int = 0) -> dict:
    key = jax.random.key(seed)
    k1, k2 = jax.random.split(key)
    cosine = jax.random.uniform(k1, (1024, 100000), dtype=jnp.float32)
    label = jax.random.randint(k2, (1024,), 0, 100000, dtype=jnp.int64 if jax.config.read('jax_enable_x64') else jnp.int32)
    return {"cosine": cosine, "label": label}

def reference(cosine, label):
    # phi = cosine - m
    phi = cosine - M
    # one_hot via scatter-overwrite, matching torch scatter_(1, label.view(-1,1), 1)
    B, C = cosine.shape
    one_hot = jnp.zeros((B, C), dtype=cosine.dtype)
    one_hot = one_hot.at[jnp.arange(B), label].set(1.0)
    output = one_hot * phi + (1.0 - one_hot) * cosine
    output = output * S
    return output

if __name__ == "__main__":
    import jax
    _d = setup_inputs()
    print(jax.jit(kernel)(*tuple(_d.values())))

</pallas_src>

<mosaic_0001>
#map = affine_map<(d0, d1) -> (0)>
module attributes {stable_mosaic.version = 14 : i64} {
  func.func @_sc_body(%arg0: i32, %arg1: i32, %arg2: memref<102400000xf32, #tpu.memory_space<hbm>>, %arg3: memref<1024xi32, #tpu.memory_space<hbm>>, %arg4: memref<102400000xf32, #tpu.memory_space<hbm>>, %arg5: memref<32xi32, #tpu.memory_space<vmem>>, %arg6: memref<32xf32, #tpu.memory_space<vmem>>, %arg7: memref<20000xf32, #tpu.memory_space<vmem>>, %arg8: memref<20000xf32, #tpu.memory_space<vmem>>, %arg9: memref<20000xf32, #tpu.memory_space<vmem>>, %arg10: memref<20000xf32, #tpu.memory_space<vmem>>, %arg11: memref<2x!tpu.dma_semaphore, #tpu.memory_space<semaphore_mem>>, %arg12: memref<2x!tpu.dma_semaphore, #tpu.memory_space<semaphore_mem>>, %arg13: memref<!tpu.dma_semaphore, #tpu.memory_space<semaphore_mem>>) attributes {dimension_semantics = [#tpu.dimension_semantics<core_parallel>, #tpu.dimension_semantics<subcore_parallel>], iteration_bounds = array<i64: 2, 16>, scalar_prefetch = 0 : i64, scratch_operands = 9 : i64, tpu.core_type = #tpu.core_type<sc_vector_subcore>, window_params = [{transform_indices = #map}, {transform_indices = #map}, {transform_indices = #map}]} {
    %mul3A = arith.constant 2 : i32
    %mul3A_0 = arith.muli %arg1, %mul3A : i32
    %add3A = arith.addi %mul3A_0, %arg0 : i32
    %mul3A_1 = arith.constant 32 : i32
    %mul3A_2 = arith.muli %add3A, %mul3A_1 : i32
    %mul3A_3 = arith.constant 100000 : i32
    %mul3A_4 = arith.muli %mul3A_2, %mul3A_3 : i32
    "tpu.region"() ({
      %run_scoped3A = tpu.sem_alloc : memref<!tpu.dma_semaphore, #tpu.memory_space<semaphore_mem>>
      %dma_start3A_62 = tpu.memref_slice %arg3[%mul3A_2] : memref<1024xi32, #tpu.memory_space<hbm>> -> memref<32xi32, #tpu.memory_space<hbm>>
      %dma_start3A_63 = tpu.memref_slice %arg3[%mul3A_2] : memref<1024xi32, #tpu.memory_space<hbm>> -> memref<32xi32, #tpu.memory_space<hbm>>
      tpu.enqueue_dma source(%dma_start3A_63 : memref<32xi32, #tpu.memory_space<hbm>>) target(%arg5 : memref<32xi32, #tpu.memory_space<vmem>>) target_semaphore(%run_scoped3A : memref<!tpu.dma_semaphore, #tpu.memory_space<semaphore_mem>>)
      %dma_wait3A_64 = tpu.memref_slice %arg3[%mul3A_2] : memref<1024xi32, #tpu.memory_space<hbm>> -> memref<32xi32, #tpu.memory_space<hbm>>
      %dma_wait3A_65 = tpu.memref_slice %arg3[%mul3A_2] : memref<1024xi32, #tpu.memory_space<hbm>> -> memref<32xi32, #tpu.memory_space<hbm>>
      tpu.wait_dma2 semaphore(%run_scoped3A : memref<!tpu.dma_semaphore, #tpu.memory_space<semaphore_mem>>) src(%dma_wait3A_65 : memref<32xi32, #tpu.memory_space<hbm>>) dst(%arg5 : memref<32xi32, #tpu.memory_space<vmem>>)
      tpu.yield
    }) : () -> ()
    %add3A_5 = arith.constant 0 : i32
    %add3A_6 = arith.addi %mul3A_4, %add3A_5 : i32
    %dma_start3A = arith.constant 0 : i32
    %dma_start3A_7 = tpu.memref_slice %arg2[%add3A_6] : memref<102400000xf32, #tpu.memory_space<hbm>> -> memref<20000xf32, #tpu.memory_space<hbm>>
    %dma_start3A_8 = tpu.memref_slice %arg11[%dma_start3A] : memref<2x!tpu.dma_semaphore, #tpu.memory_space<semaphore_mem>> -> memref<1x!tpu.dma_semaphore, #tpu.memory_space<semaphore_mem>>
    %dma_start3A_9 = tpu.memref_squeeze %dma_start3A_8 : memref<1x!tpu.dma_semaphore, #tpu.memory_space<semaphore_mem>> -> memref<!tpu.dma_semaphore, #tpu.memory_space<semaphore_mem>>
    %dma_start3A_10 = tpu.memref_slice %arg2[%add3A_6] : memref<102400000xf32, #tpu.memory_space<hbm>> -> memref<20000xf32, #tpu.memory_space<hbm>>
    tpu.enqueue_dma source(%dma_start3A_10 : memref<20000xf32, #tpu.memory_space<hbm>>) target(%arg7 : memref<20000xf32, #tpu.memory_space<vmem>>) target_semaphore(%dma_start3A_9 : memref<!tpu.dma_semaphore, #tpu.memory_space<semaphore_mem>>)
    %add3A_11 = arith.constant 20000 : i32
    %add3A_12 = arith.addi %mul3A_4, %add3A_11 : i32
    %dma_start3A_13 = arith.constant 1 : i32
    %dma_start3A_14 = tpu.memref_slice %arg2[%add3A_12] : memref<102400000xf32, #tpu.memory_space<hbm>> -> memref<20000xf32, #tpu.memory_space<hbm>>
    %dma_start3A_15 = tpu.memref_slice %arg11[%dma_start3A_13] : memref<2x!tpu.dma_semaphore, #tpu.memory_space<semaphore_mem>> -> memref<1x!tpu.dma_semaphore, #tpu.memory_space<semaphore_mem>>
    %dma_start3A_16 = tpu.memref_squeeze %dma_start3A_15 : memref<1x!tpu.dma_semaphore, #tpu.memory_space<semaphore_mem>> -> memref<!tpu.dma_semaphore, #tpu.memory_space<semaphore_mem>>
    %dma_start3A_17 = tpu.memref_slice %arg2[%add3A_12] : memref<102400000xf32, #tpu.memory_space<hbm>> -> memref<20000xf32, #tpu.memory_space<hbm>>
    tpu.enqueue_dma source(%dma_start3A_17 : memref<20000xf32, #tpu.memory_space<hbm>>) target(%arg8 : memref<20000xf32, #tpu.memory_space<vmem>>) target_semaphore(%dma_start3A_16 : memref<!tpu.dma_semaphore, #tpu.memory_space<semaphore_mem>>)
    %scan3A = arith.constant 0 : i32
    %scan3A_18 = arith.constant 0 : i32
    %scan3A_19 = arith.constant 80 : i32
    %scan3A_20 = arith.addi %scan3A_18, %scan3A_19 : i32
    %scan3A_21 = arith.constant 1 : i32
    %scan3A_22 = scf.for %scan3A_62 = %scan3A_18 to %scan3A_20 step %scan3A_21 iter_args(%scan3A_63 = %scan3A) -> (i32)  : i32 {
      %mul3A_64 = arith.constant 2 : i32
      %mul3A_65 = arith.muli %scan3A_62, %mul3A_64 : i32
      %add3A_66 = arith.constant 0 : i32
      %add3A_67 = arith.addi %mul3A_65, %add3A_66 : i32
      %mul3A_68 = arith.constant 20000 : i32
      %mul3A_69 = arith.muli %add3A_67, %mul3A_68 : i32
      %add3A_70 = arith.addi %mul3A_4, %mul3A_69 : i32
      %dma_wait3A_71 = arith.constant 0 : i32
      %dma_wait3A_72 = tpu.memref_slice %arg2[%add3A_70] : memref<102400000xf32, #tpu.memory_space<hbm>> -> memref<20000xf32, #tpu.memory_space<hbm>>
      %dma_wait3A_73 = tpu.memref_slice %arg11[%dma_wait3A_71] : memref<2x!tpu.dma_semaphore, #tpu.memory_space<semaphore_mem>> -> memref<1x!tpu.dma_semaphore, #tpu.memory_space<semaphore_mem>>
      %dma_wait3A_74 = tpu.memref_squeeze %dma_wait3A_73 : memref<1x!tpu.dma_semaphore, #tpu.memory_space<semaphore_mem>> -> memref<!tpu.dma_semaphore, #tpu.memory_space<semaphore_mem>>
      %dma_wait3A_75 = tpu.memref_slice %arg2[%add3A_70] : memref<102400000xf32, #tpu.memory_space<hbm>> -> memref<20000xf32, #tpu.memory_space<hbm>>
      tpu.wait_dma2 semaphore(%dma_wait3A_74 : memref<!tpu.dma_semaphore, #tpu.memory_space<semaphore_mem>>) src(%dma_wait3A_75 : memref<20000xf32, #tpu.memory_space<hbm>>) dst(%arg7 : memref<20000xf32, #tpu.memory_space<vmem>>)
      %gt3A = arith.constant 0 : i32
      %gt3A_76 = arith.cmpi sgt, %scan3A_62, %gt3A : i32
      %convert_element_type3A = arith.extui %gt3A_76 : i1 to i32
      %cond3A = arith.constant 0 : i32
      %cond3A_77 = arith.cmpi ne, %convert_element_type3A, %cond3A : i32
      scf.if %cond3A_77 {
        %sub3A_139 = arith.constant 2 : i32
        %sub3A_140 = arith.subi %add3A_67, %sub3A_139 : i32
        %mul3A_141 = arith.constant 20000 : i32
        %mul3A_142 = arith.muli %sub3A_140, %mul3A_141 : i32
        %add3A_143 = arith.addi %mul3A_4, %mul3A_142 : i32
        %dma_wait3A_144 = arith.constant 0 : i32
        %dma_wait3A_145 = tpu.memref_slice %arg4[%add3A_143] : memref<102400000xf32, #tpu.memory_space<hbm>> -> memref<20000xf32, #tpu.memory_space<hbm>>
        %dma_wait3A_146 = tpu.memref_slice %arg12[%dma_wait3A_144] : memref<2x!tpu.dma_semaphore, #tpu.memory_space<semaphore_mem>> -> memref<1x!tpu.dma_semaphore, #tpu.memory_space<semaphore_mem>>
        %dma_wait3A_147 = tpu.memref_squeeze %dma_wait3A_146 : memref<1x!tpu.dma_semaphore, #tpu.memory_space<semaphore_mem>> -> memref<!tpu.dma_semaphore, #tpu.memory_space<semaphore_mem>>
        %dma_wait3A_148 = tpu.memref_slice %arg4[%add3A_143] : memref<102400000xf32, #tpu.memory_space<hbm>> -> memref<20000xf32, #tpu.memory_space<hbm>>
        tpu.wait_dma2 semaphore(%dma_wait3A_147 : memref<!tpu.dma_semaphore, #tpu.memory_space<semaphore_mem>>) src(%arg9 : memref<20000xf32, #tpu.memory_space<vmem>>) dst(%dma_wait3A_148 : memref<20000xf32, #tpu.memory_space<hbm>>)
      } else {
      }
      %scan3A_78 = arith.constant 0 : i32
      %scan3A_79 = arith.constant 0 : i32
      %scan3A_80 = arith.constant 1250 : i32
      %scan3A_81 = arith.addi %scan3A_79, %scan3A_80 : i32
      %scan3A_82 = arith.constant 25 : i32
      %scan3A_83 = scf.for %scan3A_139 = %scan3A_79 to %scan3A_81 step %scan3A_82 iter_args(%scan3A_140 = %scan3A_78) -> (i32)  : i32 {
        %mul3A_141 = arith.constant 16 : i32
        %mul3A_142 = arith.muli %scan3A_139, %mul3A_141 : i32
        %get3A_143 = arith.index_cast %mul3A_142 : i32 to index
        %get3A_144 = tpu.vector_load %arg7[%get3A_143] {strides = array<i32>} : memref<20000xf32, #tpu.memory_space<vmem>>, vector<16xf32>,
        %get3A_145 = vector.shape_cast %get3A_144 : vector<16xf32> to vector<16xf32>
        %mul3A_146 = arith.constant 3.000000e+01 : f32
        %mul3A_147 = vector.broadcast %mul3A_146 : f32 to vector<16xf32>
        %mul3A_148 = arith.mulf %get3A_145, %mul3A_147 : vector<16xf32>
        %swap3A_149 = arith.index_cast %mul3A_142 : i32 to index
        %swap3A_150 = tpu.vector_load %arg9[%swap3A_149] {strides = array<i32>} : memref<20000xf32, #tpu.memory_space<vmem>>, vector<16xf32>,
        %swap3A_151 = vector.shape_cast %swap3A_150 : vector<16xf32> to vector<16xf32>
        %swap3A_152 = vector.shape_cast %mul3A_148 : vector<16xf32> to vector<16xf32>
        tpu.vector_store %arg9[%swap3A_149], %swap3A_152 {strides = array<i32>} : memref<20000xf32, #tpu.memory_space<vmem>>, vector<16xf32>,
        %scan3A_153 = arith.constant 0 : i32
        %scan3A_154 = arith.constant 1 : i32
        %scan3A_155 = arith.addi %scan3A_139, %scan3A_154 : i32
        %mul3A_156 = arith.constant 16 : i32
        %mul3A_157 = arith.muli %scan3A_155, %mul3A_156 : i32
        %get3A_158 = arith.index_cast %mul3A_157 : i32 to index
        %get3A_159 = tpu.vector_load %arg7[%get3A_158] {strides = array<i32>} : memref<20000xf32, #tpu.memory_space<vmem>>, vector<16xf32>,
        %get3A_160 = vector.shape_cast %get3A_159 : vector<16xf32> to vector<16xf32>
        %mul3A_161 = arith.constant 3.000000e+01 : f32
        %mul3A_162 = vector.broadcast %mul3A_161 : f32 to vector<16xf32>
        %mul3A_163 = arith.mulf %get3A_160, %mul3A_162 : vector<16xf32>
        %swap3A_164 = arith.index_cast %mul3A_157 : i32 to index
        %swap3A_165 = tpu.vector_load %arg9[%swap3A_164] {strides = array<i32>} : memref<20000xf32, #tpu.memory_space<vmem>>, vector<16xf32>,
        %swap3A_166 = vector.shape_cast %swap3A_165 : vector<16xf32> to vector<16xf32>
        %swap3A_167 = vector.shape_cast %mul3A_163 : vector<16xf32> to vector<16xf32>
        tpu.vector_store %arg9[%swap3A_164], %swap3A_167 {strides = array<i32>} : memref<20000xf32, #tpu.memory_space<vmem>>, vector<16xf32>,
        %scan3A_168 = arith.constant 0 : i32
        %scan3A_169 = arith.constant 2 : i32
        %scan3A_170 = arith.addi %scan3A_139, %scan3A_169 : i32
        %mul3A_171 = arith.constant 16 : i32
        %mul3A_172 = arith.muli %scan3A_170, %mul3A_171 : i32
        %get3A_173 = arith.index_cast %mul3A_172 : i32 to index
        %get3A_174 = tpu.vector_load %arg7[%get3A_173] {strides = array<i32>} : memref<20000xf32, #tpu.memory_space<vmem>>, vector<16xf32>,
        %get3A_175 = vector.shape_cast %get3A_174 : vector<16xf32> to vector<16xf32>
        %mul3A_176 = arith.constant 3.000000e+01 : f32
        %mul3A_177 = vector.broadcast %mul3A_176 : f32 to vector<16xf32>
        %mul3A_178 = arith.mulf %get3A_175, %mul3A_177 : vector<16xf32>
        %swap3A_179 = arith.index_cast %mul3A_172 : i32 to index
        %swap3A_180 = tpu.vector_load %arg9[%swap3A_179] {strides = array<i32>} : memref<20000xf32, #tpu.memory_space<vmem>>, vector<16xf32>,
        %swap3A_181 = vector.shape_cast %swap3A_180 : vector<16xf32> to vector<16xf32>
        %swap3A_182 = vector.shape_cast %mul3A_178 : vector<16xf32> to vector<16xf32>
        tpu.vector_store %arg9[%swap3A_179], %swap3A_182 {strides = array<i32>} : memref<20000xf32, #tpu.memory_space<vmem>>, vector<16xf32>,
        %scan3A_183 = arith.constant 0 : i32
        %scan3A_184 = arith.constant 3 : i32
        %scan3A_185 = arith.addi %scan3A_139, %scan3A_184 : i32
        %mul3A_186 = arith.constant 16 : i32
        %mul3A_187 = arith.muli %scan3A_185, %mul3A_186 : i32
        %get3A_188 = arith.index_cast %mul3A_187 : i32 to index
        %get3A_189 = tpu.vector_load %arg7[%get3A_188] {strides = array<i32>} : memref<20000xf32, #tpu.memory_space<vmem>>, vector<16xf32>,
        %get3A_190 = vector.shape_cast %get3A_189 : vector<16xf32> to vector<16xf32>
        %mul3A_191 = arith.constant 3.000000e+01 : f32
        %mul3A_192 = vector.broadcast %mul3A_191 : f32 to vector<16xf32>
        %mul3A_193 = arith.mulf %get3A_190, %mul3A_192 : vector<16xf32>
        %swap3A_194 = arith.index_cast %mul3A_187 : i32 to index
        %swap3A_195 = tpu.vector_load %arg9[%swap3A_194] {strides = array<i32>} : memref<20000xf32, #tpu.memory_space<vmem>>, vector<16xf32>,
        %swap3A_196 = vector.shape_cast %swap3A_195 : vector<16xf32> to vector<16xf32>
        %swap3A_197 = vector.shape_cast %mul3A_193 : vector<16xf32> to vector<16xf32>
        tpu.vector_store %arg9[%swap3A_194], %swap3A_197 {strides = array<i32>} : memref<20000xf32, #tpu.memory_space<vmem>>, vector<16xf32>,
        %scan3A_198 = arith.constant 0 : i32
        %scan3A_199 = arith.constant 4 : i32
        %scan3A_200 = arith.addi %scan3A_139, %scan3A_199 : i32
        %mul3A_201 = arith.constant 16 : i32
        %mul3A_202 = arith.muli %scan3A_200, %mul3A_201 : i32
        %get3A_203 = arith.index_cast %mul3A_202 : i32 to index
        %get3A_204 = tpu.vector_load %arg7[%get3A_203] {strides = array<i32>} : memref<20000xf32, #tpu.memory_space<vmem>>, vector<16xf32>,
        %get3A_205 = vector.shape_cast %get3A_204 : vector<16xf32> to vector<16xf32>
        %mul3A_206 = arith.constant 3.000000e+01 : f32
        %mul3A_207 = vector.broadcast %mul3A_206 : f32 to vector<16xf32>
        %mul3A_208 = arith.mulf %get3A_205, %mul3A_207 : vector<16xf32>
        %swap3A_209 = arith.index_cast %mul3A_202 : i32 to index
        %swap3A_210 = tpu.vector_load %arg9[%swap3A_209] {strides = array<i32>} : memref<20000xf32, #tpu.memory_space<vmem>>, vector<16xf32>,
        %swap3A_211 = vector.shape_cast %swap3A_210 : vector<16xf32> to vector<16xf32>
        %swap3A_212 = vector.shape_cast %mul3A_208 : vector<16xf32> to vector<16xf32>
        tpu.vector_store %arg9[%swap3A_209], %swap3A_212 {strides = array<i32>} : memref<20000xf32, #tpu.memory_space<vmem>>, vector<16xf32>,
        %scan3A_213 = arith.constant 0 : i32
        %scan3A_214 = arith.constant 5 : i32
        %scan3A_215 = arith.addi %scan3A_139, %scan3A_214 : i32
        %mul3A_216 = arith.constant 16 : i32
        %mul3A_217 = arith.muli %scan3A_215, %mul3A_216 : i32
        %get3A_218 = arith.index_cast %mul3A_217 : i32 to index
        %get3A_219 = tpu.vector_load %arg7[%get3A_218] {strides = array<i32>} : memref<20000xf32, #tpu.memory_space<vmem>>, vector<16xf32>,
        %get3A_220 = vector.shape_cast %get3A_219 : vector<16xf32> to vector<16xf32>
        %mul3A_221 = arith.constant 3.000000e+01 : f32
        %mul3A_222 = vector.broadcast %mul3A_221 : f32 to vector<16xf32>
        %mul3A_223 = arith.mulf %get3A_220, %mul3A_222 : vector<16xf32>
        %swap3A_224 = arith.index_cast %mul3A_217 : i32 to index
        %swap3A_225 = tpu.vector_load %arg9[%swap3A_224] {strides = array<i32>} : memref<20000xf32, #tpu.memory_space<vmem>>, vector<16xf32>,
        %swap3A_226 = vector.shape_cast %swap3A_225 : vector<16xf32> to vector<16xf32>
        %swap3A_227 = vector.shape_cast %mul3A_223 : vector<16xf32> to vector<16xf32>
        tpu.vector_store %arg9[%swap3A_224], %swap3A_227 {strides = array<i32>} : memref<20000xf32, #tpu.memory_space<vmem>>, vector<16xf32>,
        %scan3A_228 = arith.constant 0 : i32
        %scan3A_229 = arith.constant 6 : i32
        %scan3A_230 = arith.addi %scan3A_139, %scan3A_229 : i32
        %mul3A_231 = arith.constant 16 : i32
        %mul3A_232 = arith.muli %scan3A_230, %mul3A_231 : i32
        %get3A_233 = arith.index_cast %mul3A_232 : i32 to index
        %get3A_234 = tpu.vector_load %arg7[%get3A_233] {strides = array<i32>} : memref<20000xf32, #tpu.memory_space<vmem>>, vector<16xf32>,
        %get3A_235 = vector.shape_cast %get3A_234 : vector<16xf32> to vector<16xf32>
        %mul3A_236 = arith.constant 3.000000e+01 : f32
        %mul3A_237 = vector.broadcast %mul3A_236 : f32 to vector<16xf32>
        %mul3A_238 = arith.mulf %get3A_235, %mul3A_237 : vector<16xf32>
        %swap3A_239 = arith.index_cast %mul3A_232 : i32 to index
        %swap3A_240 = tpu.vector_load %arg9[%swap3A_239] {strides = array<i32>} : memref<20000xf32, #tpu.memory_space<vmem>>, vector<16xf32>,
        %swap3A_241 = vector.shape_cast %swap3A_240 : vector<16xf32> to vector<16xf32>
        %swap3A_242 = vector.shape_cast %mul3A_238 : vector<16xf32> to vector<16xf32>
        tpu.vector_store %arg9[%swap3A_239], %swap3A_242 {strides = array<i32>} : memref<20000xf32, #tpu.memory_space<vmem>>, vector<16xf32>,
        %scan3A_243 = arith.constant 0 : i32
        %scan3A_244 = arith.constant 7 : i32
        %scan3A_245 = arith.addi %scan3A_139, %scan3A_244 : i32
        %mul3A_246 = arith.constant 16 : i32
        %mul3A_247 = arith.muli %scan3A_245, %mul3A_246 : i32
        %get3A_248 = arith.index_cast %mul3A_247 : i32 to index
        %get3A_249 = tpu.vector_load %arg7[%get3A_248] {strides = array<i32>} : memref<20000xf32, #tpu.memory_space<vmem>>, vector<16xf32>,
        %get3A_250 = vector.shape_cast %get3A_249 : vector<16xf32> to vector<16xf32>
        %mul3A_251 = arith.constant 3.000000e+01 : f32
        %mul3A_252 = vector.broadcast %mul3A_251 : f32 to vector<16xf32>
        %mul3A_253 = arith.mulf %get3A_250, %mul3A_252 : vector<16xf32>
        %swap3A_254 = arith.index_cast %mul3A_247 : i32 to index
        %swap3A_255 = tpu.vector_load %arg9[%swap3A_254] {strides = array<i32>} : memref<20000xf32, #tpu.memory_space<vmem>>, vector<16xf32>,
        %swap3A_256 = vector.shape_cast %swap3A_255 : vector<16xf32> to vector<16xf32>
        %swap3A_257 = vector.shape_cast %mul3A_253 : vector<16xf32> to vector<16xf32>
        tpu.vector_store %arg9[%swap3A_254], %swap3A_257 {strides = array<i32>} : memref<20000xf32, #tpu.memory_space<vmem>>, vector<16xf32>,
        %scan3A_258 = arith.constant 0 : i32
        %scan3A_259 = arith.constant 8 : i32
        %scan3A_260 = arith.addi %scan3A_139, %scan3A_259 : i32
        %mul3A_261 = arith.constant 16 : i32
        %mul3A_262 = arith.muli %scan3A_260, %mul3A_261 : i32
        %get3A_263 = arith.index_cast %mul3A_262 : i32 to index
        %get3A_264 = tpu.vector_load %arg7[%get3A_263] {strides = array<i32>} : memref<20000xf32, #tpu.memory_space<vmem>>, vector<16xf32>,
        %get3A_265 = vector.shape_cast %get3A_264 : vector<16xf32> to vector<16xf32>
        %mul3A_266 = arith.constant 3.000000e+01 : f32
        %mul3A_267 = vector.broadcast %mul3A_266 : f32 to vector<16xf32>
        %mul3A_268 = arith.mulf %get3A_265, %mul3A_267 : vector<16xf32>
        %swap3A_269 = arith.index_cast %mul3A_262 : i32 to index
        %swap3A_270 = tpu.vector_load %arg9[%swap3A_269] {strides = array<i32>} : memref<20000xf32, #tpu.memory_space<vmem>>, vector<16xf32>,
        %swap3A_271 = vector.shape_cast %swap3A_270 : vector<16xf32> to vector<16xf32>
        %swap3A_272 = vector.shape_cast %mul3A_268 : vector<16xf32> to vector<16xf32>
        tpu.vector_store %arg9[%swap3A_269], %swap3A_272 {strides = array<i32>} : memref<20000xf32, #tpu.memory_space<vmem>>, vector<16xf32>,
        %scan3A_273 = arith.constant 0 : i32
        %scan3A_274 = arith.constant 9 : i32
        %scan3A_275 = arith.addi %scan3A_139, %scan3A_274 : i32
        %mul3A_276 = arith.constant 16 : i32
        %mul3A_277 = arith.muli %scan3A_275, %mul3A_276 : i32
        %get3A_278 = arith.index_cast %mul3A_277 : i32 to index
        %get3A_279 = tpu.vector_load %arg7[%get3A_278] {strides = array<i32>} : memref<20000xf32, #tpu.memory_space<vmem>>, vector<16xf32>,
        %get3A_280 = vector.shape_cast %get3A_279 : vector<16xf32> to vector<16xf32>
        %mul3A_281 = arith.constant 3.000000e+01 : f32
        %mul3A_282 = vector.broadcast %mul3A_281 : f32 to vector<16xf32>
        %mul3A_283 = arith.mulf %get3A_280, %mul3A_282 : vector<16xf32>
        %swap3A_284 = arith.index_cast %mul3A_277 : i32 to index
        %swap3A_285 = tpu.vector_load %arg9[%swap3A_284] {strides = array<i32>} : memref<20000xf32, #tpu.memory_space<vmem>>, vector<16xf32>,
        %swap3A_286 = vector.shape_cast %swap3A_285 : vector<16xf32> to vector<16xf32>
        %swap3A_287 = vector.shape_cast %mul3A_283 : vector<16xf32> to vector<16xf32>
        tpu.vector_store %arg9[%swap3A_284], %swap3A_287 {strides = array<i32>} : memref<20000xf32, #tpu.memory_space<vmem>>, vector<16xf32>,
        %scan3A_288 = arith.constant 0 : i32
        %scan3A_289 = arith.constant 10 : i32
        %scan3A_290 = arith.addi %scan3A_139, %scan3A_289 : i32
        %mul3A_291 = arith.constant 16 : i32
        %mul3A_292 = arith.muli %scan3A_290, %mul3A_291 : i32
        %get3A_293 = arith.index_cast %mul3A_292 : i32 to index
        %get3A_294 = tpu.vector_load %arg7[%get3A_293] {strides = array<i32>} : memref<20000xf32, #tpu.memory_space<vmem>>, vector<16xf32>,
        %get3A_295 = vector.shape_cast %get3A_294 : vector<16xf32> to vector<16xf32>
        %mul3A_296 = arith.constant 3.000000e+01 : f32
        %mul3A_297 = vector.broadcast %mul3A_296 : f32 to vector<16xf32>
        %mul3A_298 = arith.mulf %get3A_295, %mul3A_297 : vector<16xf32>
        %swap3A_299 = arith.index_cast %mul3A_292 : i32 to index
        %swap3A_300 = tpu.vector_load %arg9[%swap3A_299] {strides = array<i32>} : memref<20000xf32, #tpu.memory_space<vmem>>, vector<16xf32>,
        %swap3A_301 = vector.shape_cast %swap3A_300 : vector<16xf32> to vector<16xf32>
        %swap3A_302 = vector.shape_cast %mul3A_298 : vector<16xf32> to vector<16xf32>
        tpu.vector_store %arg9[%swap3A_299], %swap3A_302 {strides = array<i32>} : memref<20000xf32, #tpu.memory_space<vmem>>, vector<16xf32>,
        %scan3A_303 = arith.constant 0 : i32
        %scan3A_304 = arith.constant 11 : i32
        %scan3A_305 = arith.addi %scan3A_139, %scan3A_304 : i32
        %mul3A_306 = arith.constant 16 : i32
        %mul3A_307 = arith.muli %scan3A_305, %mul3A_306 : i32
        %get3A_308 = arith.index_cast %mul3A_307 : i32 to index
        %get3A_309 = tpu.vector_load %arg7[%get3A_308] {strides = array<i32>} : memref<20000xf32, #tpu.memory_space<vmem>>, vector<16xf32>,
        %get3A_310 = vector.shape_cast %get3A_309 : vector<16xf32> to vector<16xf32>
        %mul3A_311 = arith.constant 3.000000e+01 : f32
        %mul3A_312 = vector.broadcast %mul3A_311 : f32 to vector<16xf32>
        %mul3A_313 = arith.mulf %get3A_310, %mul3A_312 : vector<16xf32>
        %swap3A_314 = arith.index_cast %mul3A_307 : i32 to index
        %swap3A_315 = tpu.vector_load %arg9[%swap3A_314] {strides = array<i32>} : memref<20000xf32, #tpu.memory_space<vmem>>, vector<16xf32>,
        %swap3A_316 = vector.shape_cast %swap3A_315 : vector<16xf32> to vector<16xf32>
        %swap3A_317 = vector.shape_cast %mul3A_313 : vector<16xf32> to vector<16xf32>
        tpu.vector_store %arg9[%swap3A_314], %swap3A_317 {strides = array<i32>} : memref<20000xf32, #tpu.memory_space<vmem>>, vector<16xf32>,
        %scan3A_318 = arith.constant 0 : i32
        %scan3A_319 = arith.constant 12 : i32
        %scan3A_320 = arith.addi %scan3A_139, %scan3A_319 : i32
        %mul3A_321 = arith.constant 16 : i32
        %mul3A_322 = arith.muli %scan3A_320, %mul3A_321 : i32
        %get3A_323 = arith.index_cast %mul3A_322 : i32 to index
        %get3A_324 = tpu.vector_load %arg7[%get3A_323] {strides = array<i32>} : memref<20000xf32, #tpu.memory_space<vmem>>, vector<16xf32>,
        %get3A_325 = vector.shape_cast %get3A_324 : vector<16xf32> to vector<16xf32>
        %mul3A_326 = arith.constant 3.000000e+01 : f32
        %mul3A_327 = vector.broadcast %mul3A_326 : f32 to vector<16xf32>
        %mul3A_328 = arith.mulf %get3A_325, %mul3A_327 : vector<16xf32>
        %swap3A_329 = arith.index_cast %mul3A_322 : i32 to index
        %swap3A_330 = tpu.vector_load %arg9[%swap3A_329] {strides = array<i32>} : memref<20000xf32, #tpu.memory_space<vmem>>, vector<16xf32>,
        %swap3A_331 = vector.shape_cast %swap3A_330 : vector<16xf32> to vector<16xf32>
        %swap3A_332 = vector.shape_cast %mul3A_328 : vector<16xf32> to vector<16xf32>
        tpu.vector_store %arg9[%swap3A_329], %swap3A_332 {strides = array<i32>} : memref<20000xf32, #tpu.memory_space<vmem>>, vector<16xf32>,
        %scan3A_333 = arith.constant 0 : i32
        %scan3A_334 = arith.constant 13 : i32
        %scan3A_335 = arith.addi %scan3A_139, %scan3A_334 : i32
        %mul3A_336 = arith.constant 16 : i32
        %mul3A_337 = arith.muli %scan3A_335, %mul3A_336 : i32
        %get3A_338 = arith.index_cast %mul3A_337 : i32 to index
        %get3A_339 = tpu.vector_load %arg7[%get3A_338] {strides = array<i32>} : memref<20000xf32, #tpu.memory_space<vmem>>, vector<16xf32>,
        %get3A_340 = vector.shape_cast %get3A_339 : vector<16xf32> to vector<16xf32>
        %mul3A_341 = arith.constant 3.000000e+01 : f32
        %mul3A_342 = vector.broadcast %mul3A_341 : f32 to vector<16xf32>
        %mul3A_343 = arith.mulf %get3A_340, %mul3A_342 : vector<16xf32>
        %swap3A_344 = arith.index_cast %mul3A_337 : i32 to index
        %swap3A_345 = tpu.vector_load %arg9[%swap3A_344] {strides = array<i32>} : memref<20000xf32, #tpu.memory_space<vmem>>, vector<16xf32>,
        %swap3A_346 = vector.shape_cast %swap3A_345 : vector<16xf32> to vector<16xf32>
        %swap3A_347 = vector.shape_cast %mul3A_343 : vector<16xf32> to vector<16xf32>
        tpu.vector_store %arg9[%swap3A_344], %swap3A_347 {strides = array<i32>} : memref<20000xf32, #tpu.memory_space<vmem>>, vector<16xf32>,
        %scan3A_348 = arith.constant 0 : i32
        %scan3A_349 = arith.constant 14 : i32
        %scan3A_350 = arith.addi %scan3A_139, %scan3A_349 : i32
        %mul3A_351 = arith.constant 16 : i32
        %mul3A_352 = arith.muli %scan3A_350, %mul3A_351 : i32
        %get3A_353 = arith.index_cast %mul3A_352 : i32 to index
        %get3A_354 = tpu.vector_load %arg7[%get3A_353] {strides = array<i32>} : memref<20000xf32, #tpu.memory_space<vmem>>, vector<16xf32>,
        %get3A_355 = vector.shape_cast %get3A_354 : vector<16xf32> to vector<16xf32>
        %mul3A_356 = arith.constant 3.000000e+01 : f32
        %mul3A_357 = vector.broadcast %mul3A_356 : f32 to vector<16xf32>
        %mul3A_358 = arith.mulf %get3A_355, %mul3A_357 : vector<16xf32>
        %swap3A_359 = arith.index_cast %mul3A_352 : i32 to index
        %swap3A_360 = tpu.vector_load %arg9[%swap3A_359] {strides = array<i32>} : memref<20000xf32, #tpu.memory_space<vmem>>, vector<16xf32>,
        %swap3A_361 = vector.shape_cast %swap3A_360 : vector<16xf32> to vector<16xf32>
        %swap3A_362 = vector.shape_cast %mul3A_358 : vector<16xf32> to vector<16xf32>
        tpu.vector_store %arg9[%swap3A_359], %swap3A_362 {strides = array<i32>} : memref<20000xf32, #tpu.memory_space<vmem>>, vector<16xf32>,
        %scan3A_363 = arith.constant 0 : i32
        %scan3A_364 = arith.constant 15 : i32
        %scan3A_365 = arith.addi %scan3A_139, %scan3A_364 : i32
        %mul3A_366 = arith.constant 16 : i32
        %mul3A_367 = arith.muli %scan3A_365, %mul3A_366 : i32
        %get3A_368 = arith.index_cast %mul3A_367 : i32 to index
        %get3A_369 = tpu.vector_load %arg7[%get3A_368] {strides = array<i32>} : memref<20000xf32, #tpu.memory_space<vmem>>, vector<16xf32>,
        %get3A_370 = vector.shape_cast %get3A_369 : vector<16xf32> to vector<16xf32>
        %mul3A_371 = arith.constant 3.000000e+01 : f32
        %mul3A_372 = vector.broadcast %mul3A_371 : f32 to vector<16xf32>
        %mul3A_373 = arith.mulf %get3A_370, %mul3A_372 : vector<16xf32>
        %swap3A_374 = arith.index_cast %mul3A_367 : i32 to index
        %swap3A_375 = tpu.vector_load %arg9[%swap3A_374] {strides = array<i32>} : memref<20000xf32, #tpu.memory_space<vmem>>, vector<16xf32>,
        %swap3A_376 = vector.shape_cast %swap3A_375 : vector<16xf32> to vector<16xf32>
        %swap3A_377 = vector.shape_cast %mul3A_373 : vector<16xf32> to vector<16xf32>
        tpu.vector_store %arg9[%swap3A_374], %swap3A_377 {strides = array<i32>} : memref<20000xf32, #tpu.memory_space<vmem>>, vector<16xf32>,
        %scan3A_378 = arith.constant 0 : i32
        %scan3A_379 = arith.constant 16 : i32
        %scan3A_380 = arith.addi %scan3A_139, %scan3A_379 : i32
        %mul3A_381 = arith.constant 16 : i32
        %mul3A_382 = arith.muli %scan3A_380, %mul3A_381 : i32
        %get3A_383 = arith.index_cast %mul3A_382 : i32 to index
        %get3A_384 = tpu.vector_load %arg7[%get3A_383] {strides = array<i32>} : memref<20000xf32, #tpu.memory_space<vmem>>, vector<16xf32>,
        %get3A_385 = vector.shape_cast %get3A_384 : vector<16xf32> to vector<16xf32>
        %mul3A_386 = arith.constant 3.000000e+01 : f32
        %mul3A_387 = vector.broadcast %mul3A_386 : f32 to vector<16xf32>
        %mul3A_388 = arith.mulf %get3A_385, %mul3A_387 : vector<16xf32>
        %swap3A_389 = arith.index_cast %mul3A_382 : i32 to index
        %swap3A_390 = tpu.vector_load %arg9[%swap3A_389] {strides = array<i32>} : memref<20000xf32, #tpu.memory_space<vmem>>, vector<16xf32>,
        %swap3A_391 = vector.shape_cast %swap3A_390 : vector<16xf32> to vector<16xf32>
        %swap3A_392 = vector.shape_cast %mul3A_388 : vector<16xf32> to vector<16xf32>
        tpu.vector_store %arg9[%swap3A_389], %swap3A_392 {strides = array<i32>} : memref<20000xf32, #tpu.memory_space<vmem>>, vector<16xf32>,
        %scan3A_393 = arith.constant 0 : i32
        %scan3A_394 = arith.constant 17 : i32
        %scan3A_395 = arith.addi %scan3A_139, %scan3A_394 : i32
        %mul3A_396 = arith.constant 16 : i32
        %mul3A_397 = arith.muli %scan3A_395, %mul3A_396 : i32
        %get3A_398 = arith.index_cast %mul3A_397 : i32 to index
        %get3A_399 = tpu.vector_load %arg7[%get3A_398] {strides = array<i32>} : memref<20000xf32, #tpu.memory_space<vmem>>, vector<16xf32>,
        %get3A_400 = vector.shape_cast %get3A_399 : vector<16xf32> to vector<16xf32>
        %mul3A_401 = arith.constant 3.000000e+01 : f32
        %mul3A_402 = vector.broadcast %mul3A_401 : f32 to vector<16xf32>
        %mul3A_403 = arith.mulf %get3A_400, %mul3A_402 : vector<16xf32>
        %swap3A_404 = arith.index_cast %mul3A_397 : i32 to index
        %swap3A_405 = tpu.vector_load %arg9[%swap3A_404] {strides = array<i32>} : memref<20000xf32, #tpu.memory_space<vmem>>, vector<16xf32>,
        %swap3A_406 = vector.shape_cast %swap3A_405 : vector<16xf32> to vector<16xf32>
        %swap3A_407 = vector.shape_cast %mul3A_403 : vector<16xf32> to vector<16xf32>
        tpu.vector_store %arg9[%swap3A_404], %swap3A_407 {strides = array<i32>} : memref<20000xf32, #tpu.memory_space<vmem>>, vector<16xf32>,
        %scan3A_408 = arith.constant 0 : i32
        %scan3A_409 = arith.constant 18 : i32
        %scan3A_410 = arith.addi %scan3A_139, %scan3A_409 : i32
        %mul3A_411 = arith.constant 16 : i32
        %mul3A_412 = arith.muli %scan3A_410, %mul3A_411 : i32
        %get3A_413 = arith.index_cast %mul3A_412 : i32 to index
        %get3A_414 = tpu.vector_load %arg7[%get3A_413] {strides = array<i32>} : memref<20000xf32, #tpu.memory_space<vmem>>, vector<16xf32>,
        %get3A_415 = vector.shape_cast %get3A_414 : vector<16xf32> to vector<16xf32>
        %mul3A_416 = arith.constant 3.000000e+01 : f32
        %mul3A_417 = vector.broadcast %mul3A_416 : f32 to vector<16xf32>
        %mul3A_418 = arith.mulf %get3A_415, %mul3A_417 : vector<16xf32>
        %swap3A_419 = arith.index_cast %mul3A_412 : i32 to index
        %swap3A_420 = tpu.vector_load %arg9[%swap3A_419] {strides = array<i32>} : memref<20000xf32, #tpu.memory_space<vmem>>, vector<16xf32>,
        %swap3A_421 = vector.shape_cast %swap3A_420 : vector<16xf32> to vector<16xf32>
        %swap3A_422 = vector.shape_cast %mul3A_418 : vector<16xf32> to vector<16xf32>
        tpu.vector_store %arg9[%swap3A_419], %swap3A_422 {strides = array<i32>} : memref<20000xf32, #tpu.memory_space<vmem>>, vector<16xf32>,
        %scan3A_423 = arith.constant 0 : i32
        %scan3A_424 = arith.constant 19 : i32
        %scan3A_425 = arith.addi %scan3A_139, %scan3A_424 : i32
        %mul3A_426 = arith.constant 16 : i32
        %mul3A_427 = arith.muli %scan3A_425, %mul3A_426 : i32
        %get3A_428 = arith.index_cast %mul3A_427 : i32 to index
        %get3A_429 = tpu.vector_load %arg7[%get3A_428] {strides = array<i32>} : memref<20000xf32, #tpu.memory_space<vmem>>, vector<16xf32>,
        %get3A_430 = vector.shape_cast %get3A_429 : vector<16xf32> to vector<16xf32>
        %mul3A_431 = arith.constant 3.000000e+01 : f32
        %mul3A_432 = vector.broadcast %mul3A_431 : f32 to vector<16xf32>
        %mul3A_433 = arith.mulf %get3A_430, %mul3A_432 : vector<16xf32>
        %swap3A_434 = arith.index_cast %mul3A_427 : i32 to index
        %swap3A_435 = tpu.vector_load %arg9[%swap3A_434] {strides = array<i32>} : memref<20000xf32, #tpu.memory_space<vmem>>, vector<16xf32>,
        %swap3A_436 = vector.shape_cast %swap3A_435 : vector<16xf32> to vector<16xf32>
        %swap3A_437 = vector.shape_cast %mul3A_433 : vector<16xf32> to vector<16xf32>
        tpu.vector_store %arg9[%swap3A_434], %swap3A_437 {strides = array<i32>} : memref<20000xf32, #tpu.memory_space<vmem>>, vector<16xf32>,
        %scan3A_438 = arith.constant 0 : i32
        %scan3A_439 = arith.constant 20 : i32
        %scan3A_440 = arith.addi %scan3A_139, %scan3A_439 : i32
        %mul3A_441 = arith.constant 16 : i32
        %mul3A_442 = arith.muli %scan3A_440, %mul3A_441 : i32
        %get3A_443 = arith.index_cast %mul3A_442 : i32 to index
        %get3A_444 = tpu.vector_load %arg7[%get3A_443] {strides = array<i32>} : memref<20000xf32, #tpu.memory_space<vmem>>, vector<16xf32>,
        %get3A_445 = vector.shape_cast %get3A_444 : vector<16xf32> to vector<16xf32>
        %mul3A_446 = arith.constant 3.000000e+01 : f32
        %mul3A_447 = vector.broadcast %mul3A_446 : f32 to vector<16xf32>
        %mul3A_448 = arith.mulf %get3A_445, %mul3A_447 : vector<16xf32>
        %swap3A_449 = arith.index_cast %mul3A_442 : i32 to index
        %swap3A_450 = tpu.vector_load %arg9[%swap3A_449] {strides = array<i32>} : memref<20000xf32, #tpu.memory_space<vmem>>, vector<16xf32>,
        %swap3A_451 = vector.shape_cast %swap3A_450 : vector<16xf32> to vector<16xf32>
        %swap3A_452 = vector.shape_cast %mul3A_448 : vector<16xf32> to vector<16xf32>
        tpu.vector_store %arg9[%swap3A_449], %swap3A_452 {strides = array<i32>} : memref<20000xf32, #tpu.memory_space<vmem>>, vector<16xf32>,
        %scan3A_453 = arith.constant 0 : i32
        %scan3A_454 = arith.constant 21 : i32
        %scan3A_455 = arith.addi %scan3A_139, %scan3A_454 : i32
        %mul3A_456 = arith.constant 16 : i32
        %mul3A_457 = arith.muli %scan3A_455, %mul3A_456 : i32
        %get3A_458 = arith.index_cast %mul3A_457 : i32 to index
        %get3A_459 = tpu.vector_load %arg7[%get3A_458] {strides = array<i32>} : memref<20000xf32, #tpu.memory_space<vmem>>, vector<16xf32>,
        %get3A_460 = vector.shape_cast %get3A_459 : vector<16xf32> to vector<16xf32>
        %mul3A_461 = arith.constant 3.000000e+01 : f32
        %mul3A_462 = vector.broadcast %mul3A_461 : f32 to vector<16xf32>
        %mul3A_463 = arith.mulf %get3A_460, %mul3A_462 : vector<16xf32>
        %swap3A_464 = arith.index_cast %mul3A_457 : i32 to index
        %swap3A_465 = tpu.vector_load %arg9[%swap3A_464] {strides = array<i32>} : memref<20000xf32, #tpu.memory_space<vmem>>, vector<16xf32>,
        %swap3A_466 = vector.shape_cast %swap3A_465 : vector<16xf32> to vector<16xf32>
        %swap3A_467 = vector.shape_cast %mul3A_463 : vector<16xf32> to vector<16xf32>
        tpu.vector_store %arg9[%swap3A_464], %swap3A_467 {strides = array<i32>} : memref<20000xf32, #tpu.memory_space<vmem>>, vector<16xf32>,
        %scan3A_468 = arith.constant 0 : i32
        %scan3A_469 = arith.constant 22 : i32
        %scan3A_470 = arith.addi %scan3A_139, %scan3A_469 : i32
        %mul3A_471 = arith.constant 16 : i32
        %mul3A_472 = arith.muli %scan3A_470, %mul3A_471 : i32
        %get3A_473 = arith.index_cast %mul3A_472 : i32 to index
        %get3A_474 = tpu.vector_load %arg7[%get3A_473] {strides = array<i32>} : memref<20000xf32, #tpu.memory_space<vmem>>, vector<16xf32>,
        %get3A_475 = vector.shape_cast %get3A_474 : vector<16xf32> to vector<16xf32>
        %mul3A_476 = arith.constant 3.000000e+01 : f32
        %mul3A_477 = vector.broadcast %mul3A_476 : f32 to vector<16xf32>
        %mul3A_478 = arith.mulf %get3A_475, %mul3A_477 : vector<16xf32>
        %swap3A_479 = arith.index_cast %mul3A_472 : i32 to index
        %swap3A_480 = tpu.vector_load %arg9[%swap3A_479] {strides = array<i32>} : memref<20000xf32, #tpu.memory_space<vmem>>, vector<16xf32>,
        %swap3A_481 = vector.shape_cast %swap3A_480 : vector<16xf32> to vector<16xf32>
        %swap3A_482 = vector.shape_cast %mul3A_478 : vector<16xf32> to vector<16xf32>
        tpu.vector_store %arg9[%swap3A_479], %swap3A_482 {strides = array<i32>} : memref<20000xf32, #tpu.memory_space<vmem>>, vector<16xf32>,
        %scan3A_483 = arith.constant 0 : i32
        %scan3A_484 = arith.constant 23 : i32
        %scan3A_485 = arith.addi %scan3A_139, %scan3A_484 : i32
        %mul3A_486 = arith.constant 16 : i32
        %mul3A_487 = arith.muli %scan3A_485, %mul3A_486 : i32
        %get3A_488 = arith.index_cast %mul3A_487 : i32 to index
        %get3A_489 = tpu.vector_load %arg7[%get3A_488] {strides = array<i32>} : memref<20000xf32, #tpu.memory_space<vmem>>, vector<16xf32>,
        %get3A_490 = vector.shape_cast %get3A_489 : vector<16xf32> to vector<16xf32>
        %mul3A_491 = arith.constant 3.000000e+01 : f32
        %mul3A_492 = vector.broadcast %mul3A_491 : f32 to vector<16xf32>
        %mul3A_493 = arith.mulf %get3A_490, %mul3A_492 : vector<16xf32>
        %swap3A_494 = arith.index_cast %mul3A_487 : i32 to index
        %swap3A_495 = tpu.vector_load %arg9[%swap3A_494] {strides = array<i32>} : memref<20000xf32, #tpu.memory_space<vmem>>, vector<16xf32>,
        %swap3A_496 = vector.shape_cast %swap3A_495 : vector<16xf32> to vector<16xf32>
        %swap3A_497 = vector.shape_cast %mul3A_493 : vector<16xf32> to vector<16xf32>
        tpu.vector_store %arg9[%swap3A_494], %swap3A_497 {strides = array<i32>} : memref<20000xf32, #tpu.memory_space<vmem>>, vector<16xf32>,
        %scan3A_498 = arith.constant 0 : i32
        %scan3A_499 = arith.constant 24 : i32
        %scan3A_500 = arith.addi %scan3A_139, %scan3A_499 : i32
        %mul3A_501 = arith.constant 16 : i32
        %mul3A_502 = arith.muli %scan3A_500, %mul3A_501 : i32
        %get3A_503 = arith.index_cast %mul3A_502 : i32 to index
        %get3A_504 = tpu.vector_load %arg7[%get3A_503] {strides = array<i32>} : memref<20000xf32, #tpu.memory_space<vmem>>, vector<16xf32>,
        %get3A_505 = vector.shape_cast %get3A_504 : vector<16xf32> to vector<16xf32>
        %mul3A_506 = arith.constant 3.000000e+01 : f32
        %mul3A_507 = vector.broadcast %mul3A_506 : f32 to vector<16xf32>
        %mul3A_508 = arith.mulf %get3A_505, %mul3A_507 : vector<16xf32>
        %swap3A_509 = arith.index_cast %mul3A_502 : i32 to index
        %swap3A_510 = tpu.vector_load %arg9[%swap3A_509] {strides = array<i32>} : memref<20000xf32, #tpu.memory_space<vmem>>, vector<16xf32>,
        %swap3A_511 = vector.shape_cast %swap3A_510 : vector<16xf32> to vector<16xf32>
        %swap3A_512 = vector.shape_cast %mul3A_508 : vector<16xf32> to vector<16xf32>
        tpu.vector_store %arg9[%swap3A_509], %swap3A_512 {strides = array<i32>} : memref<20000xf32, #tpu.memory_space<vmem>>, vector<16xf32>,
        %scan3A_513 = arith.constant 0 : i32
        scf.yield %scan3A_513 : i32
      }
      %scan3A_84 = arith.constant 1250 : i32
      %mul3A_85 = arith.constant 20000 : i32
      %mul3A_86 = arith.muli %add3A_67, %mul3A_85 : i32
      %add3A_87 = arith.addi %mul3A_4, %mul3A_86 : i32
      %dma_start3A_88 = arith.constant 0 : i32
      %dma_start3A_89 = tpu.memref_slice %arg4[%add3A_87] : memref<102400000xf32, #tpu.memory_space<hbm>> -> memref<20000xf32, #tpu.memory_space<hbm>>
      %dma_start3A_90 = tpu.memref_slice %arg12[%dma_start3A_88] : memref<2x!tpu.dma_semaphore, #tpu.memory_space<semaphore_mem>> -> memref<1x!tpu.dma_semaphore, #tpu.memory_space<semaphore_mem>>
      %dma_start3A_91 = tpu.memref_squeeze %dma_start3A_90 : memref<1x!tpu.dma_semaphore, #tpu.memory_space<semaphore_mem>> -> memref<!tpu.dma_semaphore, #tpu.memory_space<semaphore_mem>>
      %dma_start3A_92 = tpu.memref_slice %arg4[%add3A_87] : memref<102400000xf32, #tpu.memory_space<hbm>> -> memref<20000xf32, #tpu.memory_space<hbm>>
      tpu.enqueue_dma source(%arg9 : memref<20000xf32, #tpu.memory_space<vmem>>) target(%dma_start3A_92 : memref<20000xf32, #tpu.memory_space<hbm>>) target_semaphore(%dma_start3A_91 : memref<!tpu.dma_semaphore, #tpu.memory_space<semaphore_mem>>)
      %add3A_93 = arith.constant 2 : i32
      %add3A_94 = arith.addi %add3A_67, %add3A_93 : i32
      %lt3A = arith.constant 160 : i32
      %lt3A_95 = arith.cmpi slt, %add3A_94, %lt3A : i32
      %convert_element_type3A_96 = arith.extui %lt3A_95 : i1 to i32
      %cond3A_97 = arith.constant 0 : i32
      %cond3A_98 = arith.cmpi ne, %convert_element_type3A_96, %cond3A_97 : i32
      scf.if %cond3A_98 {
        %add3A_139 = arith.constant 2 : i32
        %add3A_140 = arith.addi %add3A_67, %add3A_139 : i32
        %mul3A_141 = arith.constant 20000 : i32
        %mul3A_142 = arith.muli %add3A_140, %mul3A_141 : i32
        %add3A_143 = arith.addi %mul3A_4, %mul3A_142 : i32
        %dma_start3A_144 = arith.constant 0 : i32
        %dma_start3A_145 = tpu.memref_slice %arg2[%add3A_143] : memref<102400000xf32, #tpu.memory_space<hbm>> -> memref<20000xf32, #tpu.memory_space<hbm>>
        %dma_start3A_146 = tpu.memref_slice %arg11[%dma_start3A_144] : memref<2x!tpu.dma_semaphore, #tpu.memory_space<semaphore_mem>> -> memref<1x!tpu.dma_semaphore, #tpu.memory_space<semaphore_mem>>
        %dma_start3A_147 = tpu.memref_squeeze %dma_start3A_146 : memref<1x!tpu.dma_semaphore, #tpu.memory_space<semaphore_mem>> -> memref<!tpu.dma_semaphore, #tpu.memory_space<semaphore_mem>>
        %dma_start3A_148 = tpu.memref_slice %arg2[%add3A_143] : memref<102400000xf32, #tpu.memory_space<hbm>> -> memref<20000xf32, #tpu.memory_space<hbm>>
        tpu.enqueue_dma source(%dma_start3A_148 : memref<20000xf32, #tpu.memory_space<hbm>>) target(%arg7 : memref<20000xf32, #tpu.memory_space<vmem>>) target_semaphore(%dma_start3A_147 : memref<!tpu.dma_semaphore, #tpu.memory_space<semaphore_mem>>)
      } else {
      }
      %mul3A_99 = arith.constant 2 : i32
      %mul3A_100 = arith.muli %scan3A_62, %mul3A_99 : i32
      %add3A_101 = arith.constant 1 : i32
      %add3A_102 = arith.addi %mul3A_100, %add3A_101 : i32
      %mul3A_103 = arith.constant 20000 : i32
      %mul3A_104 = arith.muli %add3A_102, %mul3A_103 : i32
      %add3A_105 = arith.addi %mul3A_4, %mul3A_104 : i32
      %dma_wait3A_106 = arith.constant 1 : i32
      %dma_wait3A_107 = tpu.memref_slice %arg2[%add3A_105] : memref<102400000xf32, #tpu.memory_space<hbm>> -> memref<20000xf32, #tpu.memory_space<hbm>>
      %dma_wait3A_108 = tpu.memref_slice %arg11[%dma_wait3A_106] : memref<2x!tpu.dma_semaphore, #tpu.memory_space<semaphore_mem>> -> memref<1x!tpu.dma_semaphore, #tpu.memory_space<semaphore_mem>>
      %dma_wait3A_109 = tpu.memref_squeeze %dma_wait3A_108 : memref<1x!tpu.dma_semaphore, #tpu.memory_space<semaphore_mem>> -> memref<!tpu.dma_semaphore, #tpu.memory_space<semaphore_mem>>
      %dma_wait3A_110 = tpu.memref_slice %arg2[%add3A_105] : memref<102400000xf32, #tpu.memory_space<hbm>> -> memref<20000xf32, #tpu.memory_space<hbm>>
      tpu.wait_dma2 semaphore(%dma_wait3A_109 : memref<!tpu.dma_semaphore, #tpu.memory_space<semaphore_mem>>) src(%dma_wait3A_110 : memref<20000xf32, #tpu.memory_space<hbm>>) dst(%arg8 : memref<20000xf32, #tpu.memory_space<vmem>>)
      %gt3A_111 = arith.constant 0 : i32
      %gt3A_112 = arith.cmpi sgt, %scan3A_62, %gt3A_111 : i32
      %convert_element_type3A_113 = arith.extui %gt3A_112 : i1 to i32
      %cond3A_114 = arith.constant 0 : i32
      %cond3A_115 = arith.cmpi ne, %convert_element_type3A_113, %cond3A_114 : i32
      scf.if %cond3A_115 {
        %sub3A_139 = arith.constant 2 : i32
        %sub3A_140 = arith.subi %add3A_102, %sub3A_139 : i32
        %mul3A_141 = arith.constant 20000 : i32
        %mul3A_142 = arith.muli %sub3A_140, %mul3A_141 : i32
        %add3A_143 = arith.addi %mul3A_4, %mul3A_142 : i32
        %dma_wait3A_144 = arith.constant 1 : i32
        %dma_wait3A_145 = tpu.memref_slice %arg4[%add3A_143] : memref<102400000xf32, #tpu.memory_space<hbm>> -> memref<20000xf32, #tpu.memory_space<hbm>>
        %dma_wait3A_146 = tpu.memref_slice %arg12[%dma_wait3A_144] : memref<2x!tpu.dma_semaphore, #tpu.memory_space<semaphore_mem>> -> memref<1x!tpu.dma_semaphore, #tpu.memory_space<semaphore_mem>>
        %dma_wait3A_147 = tpu.memref_squeeze %dma_wait3A_146 : memref<1x!tpu.dma_semaphore, #tpu.memory_space<semaphore_mem>> -> memref<!tpu.dma_semaphore, #tpu.memory_space<semaphore_mem>>
        %dma_wait3A_148 = tpu.memref_slice %arg4[%add3A_143] : memref<102400000xf32, #tpu.memory_space<hbm>> -> memref<20000xf32, #tpu.memory_space<hbm>>
        tpu.wait_dma2 semaphore(%dma_wait3A_147 : memref<!tpu.dma_semaphore, #tpu.memory_space<semaphore_mem>>) src(%arg10 : memref<20000xf32, #tpu.memory_space<vmem>>) dst(%dma_wait3A_148 : memref<20000xf32, #tpu.memory_space<hbm>>)
      } else {
      }
      %scan3A_116 = arith.constant 0 : i32
      %scan3A_117 = arith.constant 0 : i32
      %scan3A_118 = arith.constant 1250 : i32
      %scan3A_119 = arith.addi %scan3A_117, %scan3A_118 : i32
      %scan3A_120 = arith.constant 25 : i32
      %scan3A_121 = scf.for %scan3A_139 = %scan3A_117 to %scan3A_119 step %scan3A_120 iter_args(%scan3A_140 = %scan3A_116) -> (i32)  : i32 {
        %mul3A_141 = arith.constant 16 : i32
        %mul3A_142 = arith.muli %scan3A_139, %mul3A_141 : i32
        %get3A_143 = arith.index_cast %mul3A_142 : i32 to index
        %get3A_144 = tpu.vector_load %arg8[%get3A_143] {strides = array<i32>} : memref<20000xf32, #tpu.memory_space<vmem>>, vector<16xf32>,
        %get3A_145 = vector.shape_cast %get3A_144 : vector<16xf32> to vector<16xf32>
        %mul3A_146 = arith.constant 3.000000e+01 : f32
        %mul3A_147 = vector.broadcast %mul3A_146 : f32 to vector<16xf32>
        %mul3A_148 = arith.mulf %get3A_145, %mul3A_147 : vector<16xf32>
        %swap3A_149 = arith.index_cast %mul3A_142 : i32 to index
        %swap3A_150 = tpu.vector_load %arg10[%swap3A_149] {strides = array<i32>} : memref<20000xf32, #tpu.memory_space<vmem>>, vector<16xf32>,
        %swap3A_151 = vector.shape_cast %swap3A_150 : vector<16xf32> to vector<16xf32>
        %swap3A_152 = vector.shape_cast %mul3A_148 : vector<16xf32> to vector<16xf32>
        tpu.vector_store %arg10[%swap3A_149], %swap3A_152 {strides = array<i32>} : memref<20000xf32, #tpu.memory_space<vmem>>, vector<16xf32>,
        %scan3A_153 = arith.constant 0 : i32
        %scan3A_154 = arith.constant 1 : i32
        %scan3A_155 = arith.addi %scan3A_139, %scan3A_154 : i32
        %mul3A_156 = arith.constant 16 : i32
        %mul3A_157 = arith.muli %scan3A_155, %mul3A_156 : i32
        %get3A_158 = arith.index_cast %mul3A_157 : i32 to index
        %get3A_159 = tpu.vector_load %arg8[%get3A_158] {strides = array<i32>} : memref<20000xf32, #tpu.memory_space<vmem>>, vector<16xf32>,
        %get3A_160 = vector.shape_cast %get3A_159 : vector<16xf32> to vector<16xf32>
        %mul3A_161 = arith.constant 3.000000e+01 : f32
        %mul3A_162 = vector.broadcast %mul3A_161 : f32 to vector<16xf32>
        %mul3A_163 = arith.mulf %get3A_160, %mul3A_162 : vector<16xf32>
        %swap3A_164 = arith.index_cast %mul3A_157 : i32 to index
        %swap3A_165 = tpu.vector_load %arg10[%swap3A_164] {strides = array<i32>} : memref<20000xf32, #tpu.memory_space<vmem>>, vector<16xf32>,
        %swap3A_166 = vector.shape_cast %swap3A_165 : vector<16xf32> to vector<16xf32>
        %swap3A_167 = vector.shape_cast %mul3A_163 : vector<16xf32> to vector<16xf32>
        tpu.vector_store %arg10[%swap3A_164], %swap3A_167 {strides = array<i32>} : memref<20000xf32, #tpu.memory_space<vmem>>, vector<16xf32>,
        %scan3A_168 = arith.constant 0 : i32
        %scan3A_169 = arith.constant 2 : i32
        %scan3A_170 = arith.addi %scan3A_139, %scan3A_169 : i32
        %mul3A_171 = arith.constant 16 : i32
        %mul3A_172 = arith.muli %scan3A_170, %mul3A_171 : i32
        %get3A_173 = arith.index_cast %mul3A_172 : i32 to index
        %get3A_174 = tpu.vector_load %arg8[%get3A_173] {strides = array<i32>} : memref<20000xf32, #tpu.memory_space<vmem>>, vector<16xf32>,
        %get3A_175 = vector.shape_cast %get3A_174 : vector<16xf32> to vector<16xf32>
        %mul3A_176 = arith.constant 3.000000e+01 : f32
        %mul3A_177 = vector.broadcast %mul3A_176 : f32 to vector<16xf32>
        %mul3A_178 = arith.mulf %get3A_175, %mul3A_177 : vector<16xf32>
        %swap3A_179 = arith.index_cast %mul3A_172 : i32 to index
        %swap3A_180 = tpu.vector_load %arg10[%swap3A_179] {strides = array<i32>} : memref<20000xf32, #tpu.memory_space<vmem>>, vector<16xf32>,
        %swap3A_181 = vector.shape_cast %swap3A_180 : vector<16xf32> to vector<16xf32>
        %swap3A_182 = vector.shape_cast %mul3A_178 : vector<16xf32> to vector<16xf32>
        tpu.vector_store %arg10[%swap3A_179], %swap3A_182 {strides = array<i32>} : memref<20000xf32, #tpu.memory_space<vmem>>, vector<16xf32>,
        %scan3A_183 = arith.constant 0 : i32
        %scan3A_184 = arith.constant 3 : i32
        %scan3A_185 = arith.addi %scan3A_139, %scan3A_184 : i32
        %mul3A_186 = arith.constant 16 : i32
        %mul3A_187 = arith.muli %scan3A_185, %mul3A_186 : i32
        %get3A_188 = arith.index_cast %mul3A_187 : i32 to index
        %get3A_189 = tpu.vector_load %arg8[%get3A_188] {strides = array<i32>} : memref<20000xf32, #tpu.memory_space<vmem>>, vector<16xf32>,
        %get3A_190 = vector.shape_cast %get3A_189 : vector<16xf32> to vector<16xf32>
        %mul3A_191 = arith.constant 3.000000e+01 : f32
        %mul3A_192 = vector.broadcast %mul3A_191 : f32 to vector<16xf32>
        %mul3A_193 = arith.mulf %get3A_190, %mul3A_192 : vector<16xf32>
        %swap3A_194 = arith.index_cast %mul3A_187 : i32 to index
        %swap3A_195 = tpu.vector_load %arg10[%swap3A_194] {strides = array<i32>} : memref<20000xf32, #tpu.memory_space<vmem>>, vector<16xf32>,
        %swap3A_196 = vector.shape_cast %swap3A_195 : vector<16xf32> to vector<16xf32>
        %swap3A_197 = vector.shape_cast %mul3A_193 : vector<16xf32> to vector<16xf32>
        tpu.vector_store %arg10[%swap3A_194], %swap3A_197 {strides = array<i32>} : memref<20000xf32, #tpu.memory_space<vmem>>, vector<16xf32>,
        %scan3A_198 = arith.constant 0 : i32
        %scan3A_199 = arith.constant 4 : i32
        %scan3A_200 = arith.addi %scan3A_139, %scan3A_199 : i32
        %mul3A_201 = arith.constant 16 : i32
        %mul3A_202 = arith.muli %scan3A_200, %mul3A_201 : i32
        %get3A_203 = arith.index_cast %mul3A_202 : i32 to index
        %get3A_204 = tpu.vector_load %arg8[%get3A_203] {strides = array<i32>} : memref<20000xf32, #tpu.memory_space<vmem>>, vector<16xf32>,
        %get3A_205 = vector.shape_cast %get3A_204 : vector<16xf32> to vector<16xf32>
        %mul3A_206 = arith.constant 3.000000e+01 : f32
        %mul3A_207 = vector.broadcast %mul3A_206 : f32 to vector<16xf32>
        %mul3A_208 = arith.mulf %get3A_205, %mul3A_207 : vector<16xf32>
        %swap3A_209 = arith.index_cast %mul3A_202 : i32 to index
        %swap3A_210 = tpu.vector_load %arg10[%swap3A_209] {strides = array<i32>} : memref<20000xf32, #tpu.memory_space<vmem>>, vector<16xf32>,
        %swap3A_211 = vector.shape_cast %swap3A_210 : vector<16xf32> to vector<16xf32>
        %swap3A_212 = vector.shape_cast %mul3A_208 : vector<16xf32> to vector<16xf32>
        tpu.vector_store %arg10[%swap3A_209], %swap3A_212 {strides = array<i32>} : memref<20000xf32, #tpu.memory_space<vmem>>, vector<16xf32>,
        %scan3A_213 = arith.constant 0 : i32
        %scan3A_214 = arith.constant 5 : i32
        %scan3A_215 = arith.addi %scan3A_139, %scan3A_214 : i32
        %mul3A_216 = arith.constant 16 : i32
        %mul3A_217 = arith.muli %scan3A_215, %mul3A_216 : i32
        %get3A_218 = arith.index_cast %mul3A_217 : i32 to index
        %get3A_219 = tpu.vector_load %arg8[%get3A_218] {strides = array<i32>} : memref<20000xf32, #tpu.memory_space<vmem>>, vector<16xf32>,
        %get3A_220 = vector.shape_cast %get3A_219 : vector<16xf32> to vector<16xf32>
        %mul3A_221 = arith.constant 3.000000e+01 : f32
        %mul3A_222 = vector.broadcast %mul3A_221 : f32 to vector<16xf32>
        %mul3A_223 = arith.mulf %get3A_220, %mul3A_222 : vector<16xf32>
        %swap3A_224 = arith.index_cast %mul3A_217 : i32 to index
        %swap3A_225 = tpu.vector_load %arg10[%swap3A_224] {strides = array<i32>} : memref<20000xf32, #tpu.memory_space<vmem>>, vector<16xf32>,
        %swap3A_226 = vector.shape_cast %swap3A_225 : vector<16xf32> to vector<16xf32>
        %swap3A_227 = vector.shape_cast %mul3A_223 : vector<16xf32> to vector<16xf32>
        tpu.vector_store %arg10[%swap3A_224], %swap3A_227 {strides = array<i32>} : memref<20000xf32, #tpu.memory_space<vmem>>, vector<16xf32>,
        %scan3A_228 = arith.constant 0 : i32
        %scan3A_229 = arith.constant 6 : i32
        %scan3A_230 = arith.addi %scan3A_139, %scan3A_229 : i32
        %mul3A_231 = arith.constant 16 : i32
        %mul3A_232 = arith.muli %scan3A_230, %mul3A_231 : i32
        %get3A_233 = arith.index_cast %mul3A_232 : i32 to index
        %get3A_234 = tpu.vector_load %arg8[%get3A_233] {strides = array<i32>} : memref<20000xf32, #tpu.memory_space<vmem>>, vector<16xf32>,
        %get3A_235 = vector.shape_cast %get3A_234 : vector<16xf32> to vector<16xf32>
        %mul3A_236 = arith.constant 3.000000e+01 : f32
        %mul3A_237 = vector.broadcast %mul3A_236 : f32 to vector<16xf32>
        %mul3A_238 = arith.mulf %get3A_235, %mul3A_237 : vector<16xf32>
        %swap3A_239 = arith.index_cast %mul3A_232 : i32 to index
        %swap3A_240 = tpu.vector_load %arg10[%swap3A_239] {strides = array<i32>} : memref<20000xf32, #tpu.memory_space<vmem>>, vector<16xf32>,
        %swap3A_241 = vector.shape_cast %swap3A_240 : vector<16xf32> to vector<16xf32>
        %swap3A_242 = vector.shape_cast %mul3A_238 : vector<16xf32> to vector<16xf32>
        tpu.vector_store %arg10[%swap3A_239], %swap3A_242 {strides = array<i32>} : memref<20000xf32, #tpu.memory_space<vmem>>, vector<16xf32>,
        %scan3A_243 = arith.constant 0 : i32
        %scan3A_244 = arith.constant 7 : i32
        %scan3A_245 = arith.addi %scan3A_139, %scan3A_244 : i32
        %mul3A_246 = arith.constant 16 : i32
        %mul3A_247 = arith.muli %scan3A_245, %mul3A_246 : i32
        %get3A_248 = arith.index_cast %mul3A_247 : i32 to index
        %get3A_249 = tpu.vector_load %arg8[%get3A_248] {strides = array<i32>} : memref<20000xf32, #tpu.memory_space<vmem>>, vector<16xf32>,
        %get3A_250 = vector.shape_cast %get3A_249 : vector<16xf32> to vector<16xf32>
        %mul3A_251 = arith.constant 3.000000e+01 : f32
        %mul3A_252 = vector.broadcast %mul3A_251 : f32 to vector<16xf32>
        %mul3A_253 = arith.mulf %get3A_250, %mul3A_252 : vector<16xf32>
        %swap3A_254 = arith.index_cast %mul3A_247 : i32 to index
        %swap3A_255 = tpu.vector_load %arg10[%swap3A_254] {strides = array<i32>} : memref<20000xf32, #tpu.memory_space<vmem>>, vector<16xf32>,
        %swap3A_256 = vector.shape_cast %swap3A_255 : vector<16xf32> to vector<16xf32>
        %swap3A_257 = vector.shape_cast %mul3A_253 : vector<16xf32> to vector<16xf32>
        tpu.vector_store %arg10[%swap3A_254], %swap3A_257 {strides = array<i32>} : memref<20000xf32, #tpu.memory_space<vmem>>, vector<16xf32>,
        %scan3A_258 = arith.constant 0 : i32
        %scan3A_259 = arith.constant 8 : i32
        %scan3A_260 = arith.addi %scan3A_139, %scan3A_259 : i32
        %mul3A_261 = arith.constant 16 : i32
        %mul3A_262 = arith.muli %scan3A_260, %mul3A_261 : i32
        %get3A_263 = arith.index_cast %mul3A_262 : i32 to index
        %get3A_264 = tpu.vector_load %arg8[%get3A_263] {strides = array<i32>} : memref<20000xf32, #tpu.memory_space<vmem>>, vector<16xf32>,
        %get3A_265 = vector.shape_cast %get3A_264 : vector<16xf32> to vector<16xf32>
        %mul3A_266 = arith.constant 3.000000e+01 : f32
        %mul3A_267 = vector.broadcast %mul3A_266 : f32 to vector<16xf32>
        %mul3A_268 = arith.mulf %get3A_265, %mul3A_267 : vector<16xf32>
        %swap3A_269 = arith.index_cast %mul3A_262 : i32 to index
        %swap3A_270 = tpu.vector_load %arg10[%swap3A_269] {strides = array<i32>} : memref<20000xf32, #tpu.memory_space<vmem>>, vector<16xf32>,
        %swap3A_271 = vector.shape_cast %swap3A_270 : vector<16xf32> to vector<16xf32>
        %swap3A_272 = vector.shape_cast %mul3A_268 : vector<16xf32> to vector<16xf32>
        tpu.vector_store %arg10[%swap3A_269], %swap3A_272 {strides = array<i32>} : memref<20000xf32, #tpu.memory_space<vmem>>, vector<16xf32>,
        %scan3A_273 = arith.constant 0 : i32
        %scan3A_274 = arith.constant 9 : i32
        %scan3A_275 = arith.addi %scan3A_139, %scan3A_274 : i32
        %mul3A_276 = arith.constant 16 : i32
        %mul3A_277 = arith.muli %scan3A_275, %mul3A_276 : i32
        %get3A_278 = arith.index_cast %mul3A_277 : i32 to index
        %get3A_279 = tpu.vector_load %arg8[%get3A_278] {strides = array<i32>} : memref<20000xf32, #tpu.memory_space<vmem>>, vector<16xf32>,
        %get3A_280 = vector.shape_cast %get3A_279 : vector<16xf32> to vector<16xf32>
        %mul3A_281 = arith.constant 3.000000e+01 : f32
        %mul3A_282 = vector.broadcast %mul3A_281 : f32 to vector<16xf32>
        %mul3A_283 = arith.mulf %get3A_280, %mul3A_282 : vector<16xf32>
        %swap3A_284 = arith.index_cast %mul3A_277 : i32 to index
        %swap3A_285 = tpu.vector_load %arg10[%swap3A_284] {strides = array<i32>} : memref<20000xf32, #tpu.memory_space<vmem>>, vector<16xf32>,
        %swap3A_286 = vector.shape_cast %swap3A_285 : vector<16xf32> to vector<16xf32>
        %swap3A_287 = vector.shape_cast %mul3A_283 : vector<16xf32> to vector<16xf32>
        tpu.vector_store %arg10[%swap3A_284], %swap3A_287 {strides = array<i32>} : memref<20000xf32, #tpu.memory_space<vmem>>, vector<16xf32>,
        %scan3A_288 = arith.constant 0 : i32
        %scan3A_289 = arith.constant 10 : i32
        %scan3A_290 = arith.addi %scan3A_139, %scan3A_289 : i32
        %mul3A_291 = arith.constant 16 : i32
        %mul3A_292 = arith.muli %scan3A_290, %mul3A_291 : i32
        %get3A_293 = arith.index_cast %mul3A_292 : i32 to index
        %get3A_294 = tpu.vector_load %arg8[%get3A_293] {strides = array<i32>} : memref<20000xf32, #tpu.memory_space<vmem>>, vector<16xf32>,
        %get3A_295 = vector.shape_cast %get3A_294 : vector<16xf32> to vector<16xf32>
        %mul3A_296 = arith.constant 3.000000e+01 : f32
        %mul3A_297 = vector.broadcast %mul3A_296 : f32 to vector<16xf32>
        %mul3A_298 = arith.mulf %get3A_295, %mul3A_297 : vector<16xf32>
        %swap3A_299 = arith.index_cast %mul3A_292 : i32 to index
        %swap3A_300 = tpu.vector_load %arg10[%swap3A_299] {strides = array<i32>} : memref<20000xf32, #tpu.memory_space<vmem>>, vector<16xf32>,
        %swap3A_301 = vector.shape_cast %swap3A_300 : vector<16xf32> to vector<16xf32>
        %swap3A_302 = vector.shape_cast %mul3A_298 : vector<16xf32> to vector<16xf32>
        tpu.vector_store %arg10[%swap3A_299], %swap3A_302 {strides = array<i32>} : memref<20000xf32, #tpu.memory_space<vmem>>, vector<16xf32>,
        %scan3A_303 = arith.constant 0 : i32
        %scan3A_304 = arith.constant 11 : i32
        %scan3A_305 = arith.addi %scan3A_139, %scan3A_304 : i32
        %mul3A_306 = arith.constant 16 : i32
        %mul3A_307 = arith.muli %scan3A_305, %mul3A_306 : i32
        %get3A_308 = arith.index_cast %mul3A_307 : i32 to index
        %get3A_309 = tpu.vector_load %arg8[%get3A_308] {strides = array<i32>} : memref<20000xf32, #tpu.memory_space<vmem>>, vector<16xf32>,
        %get3A_310 = vector.shape_cast %get3A_309 : vector<16xf32> to vector<16xf32>
        %mul3A_311 = arith.constant 3.000000e+01 : f32
        %mul3A_312 = vector.broadcast %mul3A_311 : f32 to vector<16xf32>
        %mul3A_313 = arith.mulf %get3A_310, %mul3A_312 : vector<16xf32>
        %swap3A_314 = arith.index_cast %mul3A_307 : i32 to index
        %swap3A_315 = tpu.vector_load %arg10[%swap3A_314] {strides = array<i32>} : memref<20000xf32, #tpu.memory_space<vmem>>, vector<16xf32>,
        %swap3A_316 = vector.shape_cast %swap3A_315 : vector<16xf32> to vector<16xf32>
        %swap3A_317 = vector.shape_cast %mul3A_313 : vector<16xf32> to vector<16xf32>
        tpu.vector_store %arg10[%swap3A_314], %swap3A_317 {strides = array<i32>} : memref<20000xf32, #tpu.memory_space<vmem>>, vector<16xf32>,
        %scan3A_318 = arith.constant 0 : i32
        %scan3A_319 = arith.constant 12 : i32
        %scan3A_320 = arith.addi %scan3A_139, %scan3A_319 : i32
        %mul3A_321 = arith.constant 16 : i32
        %mul3A_322 = arith.muli %scan3A_320, %mul3A_321 : i32
        %get3A_323 = arith.index_cast %mul3A_322 : i32 to index
        %get3A_324 = tpu.vector_load %arg8[%get3A_323] {strides = array<i32>} : memref<20000xf32, #tpu.memory_space<vmem>>, vector<16xf32>,
        %get3A_325 = vector.shape_cast %get3A_324 : vector<16xf32> to vector<16xf32>
        %mul3A_326 = arith.constant 3.000000e+01 : f32
        %mul3A_327 = vector.broadcast %mul3A_326 : f32 to vector<16xf32>
        %mul3A_328 = arith.mulf %get3A_325, %mul3A_327 : vector<16xf32>
        %swap3A_329 = arith.index_cast %mul3A_322 : i32 to index
        %swap3A_330 = tpu.vector_load %arg10[%swap3A_329] {strides = array<i32>} : memref<20000xf32, #tpu.memory_space<vmem>>, vector<16xf32>,
        %swap3A_331 = vector.shape_cast %swap3A_330 : vector<16xf32> to vector<16xf32>
        %swap3A_332 = vector.shape_cast %mul3A_328 : vector<16xf32> to vector<16xf32>
        tpu.vector_store %arg10[%swap3A_329], %swap3A_332 {strides = array<i32>} : memref<20000xf32, #tpu.memory_space<vmem>>, vector<16xf32>,
        %scan3A_333 = arith.constant 0 : i32
        %scan3A_334 = arith.constant 13 : i32
        %scan3A_335 = arith.addi %scan3A_139, %scan3A_334 : i32
        %mul3A_336 = arith.constant 16 : i32
        %mul3A_337 = arith.muli %scan3A_335, %mul3A_336 : i32
        %get3A_338 = arith.index_cast %mul3A_337 : i32 to index
        %get3A_339 = tpu.vector_load %arg8[%get3A_338] {strides = array<i32>} : memref<20000xf32, #tpu.memory_space<vmem>>, vector<16xf32>,
        %get3A_340 = vector.shape_cast %get3A_339 : vector<16xf32> to vector<16xf32>
        %mul3A_341 = arith.constant 3.000000e+01 : f32
        %mul3A_342 = vector.broadcast %mul3A_341 : f32 to vector<16xf32>
        %mul3A_343 = arith.mulf %get3A_340, %mul3A_342 : vector<16xf32>
        %swap3A_344 = arith.index_cast %mul3A_337 : i32 to index
        %swap3A_345 = tpu.vector_load %arg10[%swap3A_344] {strides = array<i32>} : memref<20000xf32, #tpu.memory_space<vmem>>, vector<16xf32>,
        %swap3A_346 = vector.shape_cast %swap3A_345 : vector<16xf32> to vector<16xf32>
        %swap3A_347 = vector.shape_cast %mul3A_343 : vector<16xf32> to vector<16xf32>
        tpu.vector_store %arg10[%swap3A_344], %swap3A_347 {strides = array<i32>} : memref<20000xf32, #tpu.memory_space<vmem>>, vector<16xf32>,
        %scan3A_348 = arith.constant 0 : i32
        %scan3A_349 = arith.constant 14 : i32
        %scan3A_350 = arith.addi %scan3A_139, %scan3A_349 : i32
        %mul3A_351 = arith.constant 16 : i32
        %mul3A_352 = arith.muli %scan3A_350, %mul3A_351 : i32
        %get3A_353 = arith.index_cast %mul3A_352 : i32 to index
        %get3A_354 = tpu.vector_load %arg8[%get3A_353] {strides = array<i32>} : memref<20000xf32, #tpu.memory_space<vmem>>, vector<16xf32>,
        %get3A_355 = vector.shape_cast %get3A_354 : vector<16xf32> to vector<16xf32>
        %mul3A_356 = arith.constant 3.000000e+01 : f32
        %mul3A_357 = vector.broadcast %mul3A_356 : f32 to vector<16xf32>
        %mul3A_358 = arith.mulf %get3A_355, %mul3A_357 : vector<16xf32>
        %swap3A_359 = arith.index_cast %mul3A_352 : i32 to index
        %swap3A_360 = tpu.vector_load %arg10[%swap3A_359] {strides = array<i32>} : memref<20000xf32, #tpu.memory_space<vmem>>, vector<16xf32>,
        %swap3A_361 = vector.shape_cast %swap3A_360 : vector<16xf32> to vector<16xf32>
        %swap3A_362 = vector.shape_cast %mul3A_358 : vector<16xf32> to vector<16xf32>
        tpu.vector_store %arg10[%swap3A_359], %swap3A_362 {strides = array<i32>} : memref<20000xf32, #tpu.memory_space<vmem>>, vector<16xf32>,
        %scan3A_363 = arith.constant 0 : i32
        %scan3A_364 = arith.constant 15 : i32
        %scan3A_365 = arith.addi %scan3A_139, %scan3A_364 : i32
        %mul3A_366 = arith.constant 16 : i32
        %mul3A_367 = arith.muli %scan3A_365, %mul3A_366 : i32
        %get3A_368 = arith.index_cast %mul3A_367 : i32 to index
        %get3A_369 = tpu.vector_load %arg8[%get3A_368] {strides = array<i32>} : memref<20000xf32, #tpu.memory_space<vmem>>, vector<16xf32>,
        %get3A_370 = vector.shape_cast %get3A_369 : vector<16xf32> to vector<16xf32>
        %mul3A_371 = arith.constant 3.000000e+01 : f32
        %mul3A_372 = vector.broadcast %mul3A_371 : f32 to vector<16xf32>
        %mul3A_373 = arith.mulf %get3A_370, %mul3A_372 : vector<16xf32>
        %swap3A_374 = arith.index_cast %mul3A_367 : i32 to index
        %swap3A_375 = tpu.vector_load %arg10[%swap3A_374] {strides = array<i32>} : memref<20000xf32, #tpu.memory_space<vmem>>, vector<16xf32>,
        %swap3A_376 = vector.shape_cast %swap3A_375 : vector<16xf32> to vector<16xf32>
        %swap3A_377 = vector.shape_cast %mul3A_373 : vector<16xf32> to vector<16xf32>
        tpu.vector_store %arg10[%swap3A_374], %swap3A_377 {strides = array<i32>} : memref<20000xf32, #tpu.memory_space<vmem>>, vector<16xf32>,
        %scan3A_378 = arith.constant 0 : i32
        %scan3A_379 = arith.constant 16 : i32
        %scan3A_380 = arith.addi %scan3A_139, %scan3A_379 : i32
        %mul3A_381 = arith.constant 16 : i32
        %mul3A_382 = arith.muli %scan3A_380, %mul3A_381 : i32
        %get3A_383 = arith.index_cast %mul3A_382 : i32 to index
        %get3A_384 = tpu.vector_load %arg8[%get3A_383] {strides = array<i32>} : memref<20000xf32, #tpu.memory_space<vmem>>, vector<16xf32>,
        %get3A_385 = vector.shape_cast %get3A_384 : vector<16xf32> to vector<16xf32>
        %mul3A_386 = arith.constant 3.000000e+01 : f32
        %mul3A_387 = vector.broadcast %mul3A_386 : f32 to vector<16xf32>
        %mul3A_388 = arith.mulf %get3A_385, %mul3A_387 : vector<16xf32>
        %swap3A_389 = arith.index_cast %mul3A_382 : i32 to index
        %swap3A_390 = tpu.vector_load %arg10[%swap3A_389] {strides = array<i32>} : memref<20000xf32, #tpu.memory_space<vmem>>, vector<16xf32>,
        %swap3A_391 = vector.shape_cast %swap3A_390 : vector<16xf32> to vector<16xf32>
        %swap3A_392 = vector.shape_cast %mul3A_388 : vector<16xf32> to vector<16xf32>
        tpu.vector_store %arg10[%swap3A_389], %swap3A_392 {strides = array<i32>} : memref<20000xf32, #tpu.memory_space<vmem>>, vector<16xf32>,
        %scan3A_393 = arith.constant 0 : i32
        %scan3A_394 = arith.constant 17 : i32
        %scan3A_395 = arith.addi %scan3A_139, %scan3A_394 : i32
        %mul3A_396 = arith.constant 16 : i32
        %mul3A_397 = arith.muli %scan3A_395, %mul3A_396 : i32
        %get3A_398 = arith.index_cast %mul3A_397 : i32 to index
        %get3A_399 = tpu.vector_load %arg8[%get3A_398] {strides = array<i32>} : memref<20000xf32, #tpu.memory_space<vmem>>, vector<16xf32>,
        %get3A_400 = vector.shape_cast %get3A_399 : vector<16xf32> to vector<16xf32>
        %mul3A_401 = arith.constant 3.000000e+01 : f32
        %mul3A_402 = vector.broadcast %mul3A_401 : f32 to vector<16xf32>
        %mul3A_403 = arith.mulf %get3A_400, %mul3A_402 : vector<16xf32>
        %swap3A_404 = arith.index_cast %mul3A_397 : i32 to index
        %swap3A_405 = tpu.vector_load %arg10[%swap3A_404] {strides = array<i32>} : memref<20000xf32, #tpu.memory_space<vmem>>, vector<16xf32>,
        %swap3A_406 = vector.shape_cast %swap3A_405 : vector<16xf32> to vector<16xf32>
        %swap3A_407 = vector.shape_cast %mul3A_403 : vector<16xf32> to vector<16xf32>
        tpu.vector_store %arg10[%swap3A_404], %swap3A_407 {strides = array<i32>} : memref<20000xf32, #tpu.memory_space<vmem>>, vector<16xf32>,
        %scan3A_408 = arith.constant 0 : i32
        %scan3A_409 = arith.constant 18 : i32
        %scan3A_410 = arith.addi %scan3A_139, %scan3A_409 : i32
        %mul3A_411 = arith.constant 16 : i32
        %mul3A_412 = arith.muli %scan3A_410, %mul3A_411 : i32
        %get3A_413 = arith.index_cast %mul3A_412 : i32 to index
        %get3A_414 = tpu.vector_load %arg8[%get3A_413] {strides = array<i32>} : memref<20000xf32, #tpu.memory_space<vmem>>, vector<16xf32>,
        %get3A_415 = vector.shape_cast %get3A_414 : vector<16xf32> to vector<16xf32>
        %mul3A_416 = arith.constant 3.000000e+01 : f32
        %mul3A_417 = vector.broadcast %mul3A_416 : f32 to vector<16xf32>
        %mul3A_418 = arith.mulf %get3A_415, %mul3A_417 : vector<16xf32>
        %swap3A_419 = arith.index_cast %mul3A_412 : i32 to index
        %swap3A_420 = tpu.vector_load %arg10[%swap3A_419] {strides = array<i32>} : memref<20000xf32, #tpu.memory_space<vmem>>, vector<16xf32>,
        %swap3A_421 = vector.shape_cast %swap3A_420 : vector<16xf32> to vector<16xf32>
        %swap3A_422 = vector.shape_cast %mul3A_418 : vector<16xf32> to vector<16xf32>
        tpu.vector_store %arg10[%swap3A_419], %swap3A_422 {strides = array<i32>} : memref<20000xf32, #tpu.memory_space<vmem>>, vector<16xf32>,
        %scan3A_423 = arith.constant 0 : i32
        %scan3A_424 = arith.constant 19 : i32
        %scan3A_425 = arith.addi %scan3A_139, %scan3A_424 : i32
        %mul3A_426 = arith.constant 16 : i32
        %mul3A_427 = arith.muli %scan3A_425, %mul3A_426 : i32
        %get3A_428 = arith.index_cast %mul3A_427 : i32 to index
        %get3A_429 = tpu.vector_load %arg8[%get3A_428] {strides = array<i32>} : memref<20000xf32, #tpu.memory_space<vmem>>, vector<16xf32>,
        %get3A_430 = vector.shape_cast %get3A_429 : vector<16xf32> to vector<16xf32>
        %mul3A_431 = arith.constant 3.000000e+01 : f32
        %mul3A_432 = vector.broadcast %mul3A_431 : f32 to vector<16xf32>
        %mul3A_433 = arith.mulf %get3A_430, %mul3A_432 : vector<16xf32>
        %swap3A_434 = arith.index_cast %mul3A_427 : i32 to index
        %swap3A_435 = tpu.vector_load %arg10[%swap3A_434] {strides = array<i32>} : memref<20000xf32, #tpu.memory_space<vmem>>, vector<16xf32>,
        %swap3A_436 = vector.shape_cast %swap3A_435 : vector<16xf32> to vector<16xf32>
        %swap3A_437 = vector.shape_cast %mul3A_433 : vector<16xf32> to vector<16xf32>
        tpu.vector_store %arg10[%swap3A_434], %swap3A_437 {strides = array<i32>} : memref<20000xf32, #tpu.memory_space<vmem>>, vector<16xf32>,
        %scan3A_438 = arith.constant 0 : i32
        %scan3A_439 = arith.constant 20 : i32
        %scan3A_440 = arith.addi %scan3A_139, %scan3A_439 : i32
        %mul3A_441 = arith.constant 16 : i32
        %mul3A_442 = arith.muli %scan3A_440, %mul3A_441 : i32
        %get3A_443 = arith.index_cast %mul3A_442 : i32 to index
        %get3A_444 = tpu.vector_load %arg8[%get3A_443] {strides = array<i32>} : memref<20000xf32, #tpu.memory_space<vmem>>, vector<16xf32>,
        %get3A_445 = vector.shape_cast %get3A_444 : vector<16xf32> to vector<16xf32>
        %mul3A_446 = arith.constant 3.000000e+01 : f32
        %mul3A_447 = vector.broadcast %mul3A_446 : f32 to vector<16xf32>
        %mul3A_448 = arith.mulf %get3A_445, %mul3A_447 : vector<16xf32>
        %swap3A_449 = arith.index_cast %mul3A_442 : i32 to index
        %swap3A_450 = tpu.vector_load %arg10[%swap3A_449] {strides = array<i32>} : memref<20000xf32, #tpu.memory_space<vmem>>, vector<16xf32>,
        %swap3A_451 = vector.shape_cast %swap3A_450 : vector<16xf32> to vector<16xf32>
        %swap3A_452 = vector.shape_cast %mul3A_448 : vector<16xf32> to vector<16xf32>
        tpu.vector_store %arg10[%swap3A_449], %swap3A_452 {strides = array<i32>} : memref<20000xf32, #tpu.memory_space<vmem>>, vector<16xf32>,
        %scan3A_453 = arith.constant 0 : i32
        %scan3A_454 = arith.constant 21 : i32
        %scan3A_455 = arith.addi %scan3A_139, %scan3A_454 : i32
        %mul3A_456 = arith.constant 16 : i32
        %mul3A_457 = arith.muli %scan3A_455, %mul3A_456 : i32
        %get3A_458 = arith.index_cast %mul3A_457 : i32 to index
        %get3A_459 = tpu.vector_load %arg8[%get3A_458] {strides = array<i32>} : memref<20000xf32, #tpu.memory_space<vmem>>, vector<16xf32>,
        %get3A_460 = vector.shape_cast %get3A_459 : vector<16xf32> to vector<16xf32>
        %mul3A_461 = arith.constant 3.000000e+01 : f32
        %mul3A_462 = vector.broadcast %mul3A_461 : f32 to vector<16xf32>
        %mul3A_463 = arith.mulf %get3A_460, %mul3A_462 : vector<16xf32>
        %swap3A_464 = arith.index_cast %mul3A_457 : i32 to index
        %swap3A_465 = tpu.vector_load %arg10[%swap3A_464] {strides = array<i32>} : memref<20000xf32, #tpu.memory_space<vmem>>, vector<16xf32>,
        %swap3A_466 = vector.shape_cast %swap3A_465 : vector<16xf32> to vector<16xf32>
        %swap3A_467 = vector.shape_cast %mul3A_463 : vector<16xf32> to vector<16xf32>
        tpu.vector_store %arg10[%swap3A_464], %swap3A_467 {strides = array<i32>} : memref<20000xf32, #tpu.memory_space<vmem>>, vector<16xf32>,
        %scan3A_468 = arith.constant 0 : i32
        %scan3A_469 = arith.constant 22 : i32
        %scan3A_470 = arith.addi %scan3A_139, %scan3A_469 : i32
        %mul3A_471 = arith.constant 16 : i32
        %mul3A_472 = arith.muli %scan3A_470, %mul3A_471 : i32
        %get3A_473 = arith.index_cast %mul3A_472 : i32 to index
        %get3A_474 = tpu.vector_load %arg8[%get3A_473] {strides = array<i32>} : memref<20000xf32, #tpu.memory_space<vmem>>, vector<16xf32>,
        %get3A_475 = vector.shape_cast %get3A_474 : vector<16xf32> to vector<16xf32>
        %mul3A_476 = arith.constant 3.000000e+01 : f32
        %mul3A_477 = vector.broadcast %mul3A_476 : f32 to vector<16xf32>
        %mul3A_478 = arith.mulf %get3A_475, %mul3A_477 : vector<16xf32>
        %swap3A_479 = arith.index_cast %mul3A_472 : i32 to index
        %swap3A_480 = tpu.vector_load %arg10[%swap3A_479] {strides = array<i32>} : memref<20000xf32, #tpu.memory_space<vmem>>, vector<16xf32>,
        %swap3A_481 = vector.shape_cast %swap3A_480 : vector<16xf32> to vector<16xf32>
        %swap3A_482 = vector.shape_cast %mul3A_478 : vector<16xf32> to vector<16xf32>
        tpu.vector_store %arg10[%swap3A_479], %swap3A_482 {strides = array<i32>} : memref<20000xf32, #tpu.memory_space<vmem>>, vector<16xf32>,
        %scan3A_483 = arith.constant 0 : i32
        %scan3A_484 = arith.constant 23 : i32
        %scan3A_485 = arith.addi %scan3A_139, %scan3A_484 : i32
        %mul3A_486 = arith.constant 16 : i32
        %mul3A_487 = arith.muli %scan3A_485, %mul3A_486 : i32
        %get3A_488 = arith.index_cast %mul3A_487 : i32 to index
        %get3A_489 = tpu.vector_load %arg8[%get3A_488] {strides = array<i32>} : memref<20000xf32, #tpu.memory_space<vmem>>, vector<16xf32>,
        %get3A_490 = vector.shape_cast %get3A_489 : vector<16xf32> to vector<16xf32>
        %mul3A_491 = arith.constant 3.000000e+01 : f32
        %mul3A_492 = vector.broadcast %mul3A_491 : f32 to vector<16xf32>
        %mul3A_493 = arith.mulf %get3A_490, %mul3A_492 : vector<16xf32>
        %swap3A_494 = arith.index_cast %mul3A_487 : i32 to index
        %swap3A_495 = tpu.vector_load %arg10[%swap3A_494] {strides = array<i32>} : memref<20000xf32, #tpu.memory_space<vmem>>, vector<16xf32>,
        %swap3A_496 = vector.shape_cast %swap3A_495 : vector<16xf32> to vector<16xf32>
        %swap3A_497 = vector.shape_cast %mul3A_493 : vector<16xf32> to vector<16xf32>
        tpu.vector_store %arg10[%swap3A_494], %swap3A_497 {strides = array<i32>} : memref<20000xf32, #tpu.memory_space<vmem>>, vector<16xf32>,
        %scan3A_498 = arith.constant 0 : i32
        %scan3A_499 = arith.constant 24 : i32
        %scan3A_500 = arith.addi %scan3A_139, %scan3A_499 : i32
        %mul3A_501 = arith.constant 16 : i32
        %mul3A_502 = arith.muli %scan3A_500, %mul3A_501 : i32
        %get3A_503 = arith.index_cast %mul3A_502 : i32 to index
        %get3A_504 = tpu.vector_load %arg8[%get3A_503] {strides = array<i32>} : memref<20000xf32, #tpu.memory_space<vmem>>, vector<16xf32>,
        %get3A_505 = vector.shape_cast %get3A_504 : vector<16xf32> to vector<16xf32>
        %mul3A_506 = arith.constant 3.000000e+01 : f32
        %mul3A_507 = vector.broadcast %mul3A_506 : f32 to vector<16xf32>
        %mul3A_508 = arith.mulf %get3A_505, %mul3A_507 : vector<16xf32>
        %swap3A_509 = arith.index_cast %mul3A_502 : i32 to index
        %swap3A_510 = tpu.vector_load %arg10[%swap3A_509] {strides = array<i32>} : memref<20000xf32, #tpu.memory_space<vmem>>, vector<16xf32>,
        %swap3A_511 = vector.shape_cast %swap3A_510 : vector<16xf32> to vector<16xf32>
        %swap3A_512 = vector.shape_cast %mul3A_508 : vector<16xf32> to vector<16xf32>
        tpu.vector_store %arg10[%swap3A_509], %swap3A_512 {strides = array<i32>} : memref<20000xf32, #tpu.memory_space<vmem>>, vector<16xf32>,
        %scan3A_513 = arith.constant 0 : i32
        scf.yield %scan3A_513 : i32
      }
      %scan3A_122 = arith.constant 1250 : i32
      %mul3A_123 = arith.constant 20000 : i32
      %mul3A_124 = arith.muli %add3A_102, %mul3A_123 : i32
      %add3A_125 = arith.addi %mul3A_4, %mul3A_124 : i32
      %dma_start3A_126 = arith.constant 1 : i32
      %dma_start3A_127 = tpu.memref_slice %arg4[%add3A_125] : memref<102400000xf32, #tpu.memory_space<hbm>> -> memref<20000xf32, #tpu.memory_space<hbm>>
      %dma_start3A_128 = tpu.memref_slice %arg12[%dma_start3A_126] : memref<2x!tpu.dma_semaphore, #tpu.memory_space<semaphore_mem>> -> memref<1x!tpu.dma_semaphore, #tpu.memory_space<semaphore_mem>>
      %dma_start3A_129 = tpu.memref_squeeze %dma_start3A_128 : memref<1x!tpu.dma_semaphore, #tpu.memory_space<semaphore_mem>> -> memref<!tpu.dma_semaphore, #tpu.memory_space<semaphore_mem>>
      %dma_start3A_130 = tpu.memref_slice %arg4[%add3A_125] : memref<102400000xf32, #tpu.memory_space<hbm>> -> memref<20000xf32, #tpu.memory_space<hbm>>
      tpu.enqueue_dma source(%arg10 : memref<20000xf32, #tpu.memory_space<vmem>>) target(%dma_start3A_130 : memref<20000xf32, #tpu.memory_space<hbm>>) target_semaphore(%dma_start3A_129 : memref<!tpu.dma_semaphore, #tpu.memory_space<semaphore_mem>>)
      %add3A_131 = arith.constant 2 : i32
      %add3A_132 = arith.addi %add3A_102, %add3A_131 : i32
      %lt3A_133 = arith.constant 160 : i32
      %lt3A_134 = arith.cmpi slt, %add3A_132, %lt3A_133 : i32
      %convert_element_type3A_135 = arith.extui %lt3A_134 : i1 to i32
      %cond3A_136 = arith.constant 0 : i32
      %cond3A_137 = arith.cmpi ne, %convert_element_type3A_135, %cond3A_136 : i32
      scf.if %cond3A_137 {
        %add3A_139 = arith.constant 2 : i32
        %add3A_140 = arith.addi %add3A_102, %add3A_139 : i32
        %mul3A_141 = arith.constant 20000 : i32
        %mul3A_142 = arith.muli %add3A_140, %mul3A_141 : i32
        %add3A_143 = arith.addi %mul3A_4, %mul3A_142 : i32
        %dma_start3A_144 = arith.constant 1 : i32
        %dma_start3A_145 = tpu.memref_slice %arg2[%add3A_143] : memref<102400000xf32, #tpu.memory_space<hbm>> -> memref<20000xf32, #tpu.memory_space<hbm>>
        %dma_start3A_146 = tpu.memref_slice %arg11[%dma_start3A_144] : memref<2x!tpu.dma_semaphore, #tpu.memory_space<semaphore_mem>> -> memref<1x!tpu.dma_semaphore, #tpu.memory_space<semaphore_mem>>
        %dma_start3A_147 = tpu.memref_squeeze %dma_start3A_146 : memref<1x!tpu.dma_semaphore, #tpu.memory_space<semaphore_mem>> -> memref<!tpu.dma_semaphore, #tpu.memory_space<semaphore_mem>>
        %dma_start3A_148 = tpu.memref_slice %arg2[%add3A_143] : memref<102400000xf32, #tpu.memory_space<hbm>> -> memref<20000xf32, #tpu.memory_space<hbm>>
        tpu.enqueue_dma source(%dma_start3A_148 : memref<20000xf32, #tpu.memory_space<hbm>>) target(%arg8 : memref<20000xf32, #tpu.memory_space<vmem>>) target_semaphore(%dma_start3A_147 : memref<!tpu.dma_semaphore, #tpu.memory_space<semaphore_mem>>)
      } else {
      }
      %scan3A_138 = arith.constant 0 : i32
      scf.yield %scan3A_138 : i32
    }
    %scan3A_23 = arith.constant 80 : i32
    %add3A_24 = arith.constant 3160000 : i32
    %add3A_25 = arith.addi %mul3A_4, %add3A_24 : i32
    %dma_wait3A = arith.constant 0 : i32
    %dma_wait3A_26 = tpu.memref_slice %arg4[%add3A_25] : memref<102400000xf32, #tpu.memory_space<hbm>> -> memref<20000xf32, #tpu.memory_space<hbm>>
    %dma_wait3A_27 = tpu.memref_slice %arg12[%dma_wait3A] : memref<2x!tpu.dma_semaphore, #tpu.memory_space<semaphore_mem>> -> memref<1x!tpu.dma_semaphore, #tpu.memory_space<semaphore_mem>>
    %dma_wait3A_28 = tpu.memref_squeeze %dma_wait3A_27 : memref<1x!tpu.dma_semaphore, #tpu.memory_space<semaphore_mem>> -> memref<!tpu.dma_semaphore, #tpu.memory_space<semaphore_mem>>
    %dma_wait3A_29 = tpu.memref_slice %arg4[%add3A_25] : memref<102400000xf32, #tpu.memory_space<hbm>> -> memref<20000xf32, #tpu.memory_space<hbm>>
    tpu.wait_dma2 semaphore(%dma_wait3A_28 : memref<!tpu.dma_semaphore, #tpu.memory_space<semaphore_mem>>) src(%arg9 : memref<20000xf32, #tpu.memory_space<vmem>>) dst(%dma_wait3A_29 : memref<20000xf32, #tpu.memory_space<hbm>>)
    %add3A_30 = arith.constant 3180000 : i32
    %add3A_31 = arith.addi %mul3A_4, %add3A_30 : i32
    %dma_wait3A_32 = arith.constant 1 : i32
    %dma_wait3A_33 = tpu.memref_slice %arg4[%add3A_31] : memref<102400000xf32, #tpu.memory_space<hbm>> -> memref<20000xf32, #tpu.memory_space<hbm>>
    %dma_wait3A_34 = tpu.memref_slice %arg12[%dma_wait3A_32] : memref<2x!tpu.dma_semaphore, #tpu.memory_space<semaphore_mem>> -> memref<1x!tpu.dma_semaphore, #tpu.memory_space<semaphore_mem>>
    %dma_wait3A_35 = tpu.memref_squeeze %dma_wait3A_34 : memref<1x!tpu.dma_semaphore, #tpu.memory_space<semaphore_mem>> -> memref<!tpu.dma_semaphore, #tpu.memory_space<semaphore_mem>>
    %dma_wait3A_36 = tpu.memref_slice %arg4[%add3A_31] : memref<102400000xf32, #tpu.memory_space<hbm>> -> memref<20000xf32, #tpu.memory_space<hbm>>
    tpu.wait_dma2 semaphore(%dma_wait3A_35 : memref<!tpu.dma_semaphore, #tpu.memory_space<semaphore_mem>>) src(%arg10 : memref<20000xf32, #tpu.memory_space<vmem>>) dst(%dma_wait3A_36 : memref<20000xf32, #tpu.memory_space<hbm>>)
    %dma_start3A_37 = arith.constant 0 : i32
    %dma_start3A_38 = tpu.memref_slice %arg4[%dma_start3A_37] : memref<102400000xf32, #tpu.memory_space<hbm>> -> memref<102400000xf32, #tpu.memory_space<hbm>>
    tpu.enqueue_indirect_dma source(%dma_start3A_38 : memref<102400000xf32, #tpu.memory_space<hbm>>) target(%arg6 : memref<32xf32, #tpu.memory_space<vmem>>) offsets(%arg5 : memref<32xi32, #tpu.memory_space<vmem>>) semaphore(%arg13 : memref<!tpu.dma_semaphore, #tpu.memory_space<semaphore_mem>>)
    %dma_wait3A_39 = arith.constant 0 : i32
    %dma_wait3A_40 = tpu.memref_slice %arg4[%dma_wait3A_39] : memref<102400000xf32, #tpu.memory_space<hbm>> -> memref<102400000xf32, #tpu.memory_space<hbm>>
    tpu.wait_indirect_dma semaphore(%arg13 : memref<!tpu.dma_semaphore, #tpu.memory_space<semaphore_mem>>) src(%dma_wait3A_40 : memref<102400000xf32, #tpu.memory_space<hbm>>) dst(%arg6 : memref<32xf32, #tpu.memory_space<vmem>>)
    %get3A = arith.constant 0 : index
    %get3A_41 = tpu.vector_load %arg6[%get3A] {strides = array<i32>} : memref<32xf32, #tpu.memory_space<vmem>>, vector<16xf32>,
    %get3A_42 = vector.shape_cast %get3A_41 : vector<16xf32> to vector<16xf32>
    %sub3A = arith.constant 1.200000e+01 : f32
    %sub3A_43 = vector.broadcast %sub3A : f32 to vector<16xf32>
    %sub3A_44 = arith.subf %get3A_42, %sub3A_43 : vector<16xf32>
    %swap3A = arith.constant 0 : index
    %swap3A_45 = tpu.vector_load %arg6[%swap3A] {strides = array<i32>} : memref<32xf32, #tpu.memory_space<vmem>>, vector<16xf32>,
    %swap3A_46 = vector.shape_cast %swap3A_45 : vector<16xf32> to vector<16xf32>
    %swap3A_47 = vector.shape_cast %sub3A_44 : vector<16xf32> to vector<16xf32>
    tpu.vector_store %arg6[%swap3A], %swap3A_47 {strides = array<i32>} : memref<32xf32, #tpu.memory_space<vmem>>, vector<16xf32>,
    %get3A_48 = arith.constant 16 : index
    %get3A_49 = tpu.vector_load %arg6[%get3A_48] {strides = array<i32>} : memref<32xf32, #tpu.memory_space<vmem>>, vector<16xf32>,
    %get3A_50 = vector.shape_cast %get3A_49 : vector<16xf32> to vector<16xf32>
    %sub3A_51 = arith.constant 1.200000e+01 : f32
    %sub3A_52 = vector.broadcast %sub3A_51 : f32 to vector<16xf32>
    %sub3A_53 = arith.subf %get3A_50, %sub3A_52 : vector<16xf32>
    %swap3A_54 = arith.constant 16 : index
    %swap3A_55 = tpu.vector_load %arg6[%swap3A_54] {strides = array<i32>} : memref<32xf32, #tpu.memory_space<vmem>>, vector<16xf32>,
    %swap3A_56 = vector.shape_cast %swap3A_55 : vector<16xf32> to vector<16xf32>
    %swap3A_57 = vector.shape_cast %sub3A_53 : vector<16xf32> to vector<16xf32>
    tpu.vector_store %arg6[%swap3A_54], %swap3A_57 {strides = array<i32>} : memref<32xf32, #tpu.memory_space<vmem>>, vector<16xf32>,
    %dma_start3A_58 = arith.constant 0 : i32
    %dma_start3A_59 = tpu.memref_slice %arg4[%dma_start3A_58] : memref<102400000xf32, #tpu.memory_space<hbm>> -> memref<102400000xf32, #tpu.memory_space<hbm>>
    tpu.enqueue_indirect_dma source(%arg6 : memref<32xf32, #tpu.memory_space<vmem>>) target(%dma_start3A_59 : memref<102400000xf32, #tpu.memory_space<hbm>>) offsets(%arg5 : memref<32xi32, #tpu.memory_space<vmem>>) semaphore(%arg13 : memref<!tpu.dma_semaphore, #tpu.memory_space<semaphore_mem>>)
    %dma_wait3A_60 = arith.constant 0 : i32
    %dma_wait3A_61 = tpu.memref_slice %arg4[%dma_wait3A_60] : memref<102400000xf32, #tpu.memory_space<hbm>> -> memref<102400000xf32, #tpu.memory_space<hbm>>
    tpu.wait_indirect_dma semaphore(%arg13 : memref<!tpu.dma_semaphore, #tpu.memory_space<semaphore_mem>>) src(%arg6 : memref<32xf32, #tpu.memory_space<vmem>>) dst(%dma_wait3A_61 : memref<102400000xf32, #tpu.memory_space<hbm>>)
    return
  }
}

</mosaic_0001>

<sc_bundles>
// kernel: kernel.3.cloned.1.call-start
scs
__scs_entry_jumppad:
0x0: {  	(pc) =	sbr.rel $0x88, $3  }
0x1: {  	(tag) =	ssettag $0x0;
	lr =	simm.s32 $0x1  }
0x2: {  	[smem:$0x3F9F] =	sst lr;
	_ =	strace $0xD0000000  }
0x3: {  	_ = 	snop  }
0x4: {  	_ = 	snop  }
0x5: {  	_ = 	snop  }
0x6: {  	_ = 	snop  }
0x7: {  	_ = 	snop  }
__scs_overlays_trampoline_lowered:
0x8: {  	[smem:$0x3FAE] =	sst s0  }
0x9: {  	[smem:$0x3FAF] =	sst s1  }
0xa: {  	[smem:$0x3FB0] =	sst s2  }
0xb: {  	[smem:$0x3FB1] =	sst s3  }
0xc: {  	[smem:$0x3FB2] =	sst s4  }
0xd: {  	[smem:$0x3FB3] =	sst s5  }
0xe: {  	[smem:$0x3FB4] =	sst s6  }
0xf: {  	[smem:$0x3FB5] =	sst s7  }
0x10: {  	[smem:$0x3FB6] =	sst s8  }
0x11: {  	[smem:$0x3FB7] =	sst s9;
	s0 =	simm.s32 @!p0 $0x0  }
0x12: {  	s1 =	sld [smem:$0x3F9D];
	s0 =	simm.s32 @p0 $0x1  }
0x13: {  	[smem:$0x3FB8] =	sst s0;
	s0 =	simm.s32 @!p1 $0x0  }
0x14: {  	s2 =	sld [smem:$0x3F9C];
	s0 =	simm.s32 @p1 $0x1  }
0x15: {  	[smem:$0x3FB9] =	sst s0;
	s0 =	simm.s32 @!p2 $0x0  }
0x16: {  	s3 =	sld [smem:$0x3FDB];
	s0 =	simm.s32 @p2 $0x1  }
0x17: {  	s4 =	simm.s32 $0x1BF5;
	[smem:$0x3FBB] =	sst s0  }
0x18: {  	s0 =	sld [smem:$0x3F9E];
	_ =	swait.ge [sflag:s4], $0x0  }
0x19: {  	s7 =	sld [smem:$0x3F9F]  }
0x1a: {  	s8 =	sadd.s32 $0xFFFFE003, lr  }
0x1b: {  	s9 =	sadd.s32 $0xFFFFFEF7, lr;
	s5 =	simm.s32 $0xFFFFFFFF;
	p2 =	slt.u32 s8, $0xFFFFF086  }
0x1c: {  	p1 =	slt.u32 s9, $0xF7A;
	s5 =	simm.s32 @!p2 $0x0  }
0x1d: {  	s5 =	simm.s32 @p1 $0x1;
	p0 =	seq.s32 s7, s2  }
0x1e: {  	s7 =	smul.u32 @!p0 $0xF7A, s2;
	p2 =	seq.s32 @!p0 s5, $0x0  }
0x1f: {  	s9 =	smul.u32 $0xF7A, s1;
	s8 =	simm.s32 @!p0 $0x1BF5;
	p2 =	por !p2, p0  }
0x20: {  	[sflag:s8] =	ssyncset.s32 @!p0 $0xFFFFF086;
	s6 =	sadd.s32 @!p0 s3, s7;
	s7 =	simm.s32 @!p0 $0x108  }
0x21: {  	s3 =	sadd.s32 s3, s9;
	s6 =	sadd.s32 @!p0 $0x88, s6;
	s7 =	simm.s32 @p2 $0x1082  }
0x22: {  	[simem:s7], [sflag:s8] =	dma.local @!p0 [hbm:s6], $0xF7A  }
0x23: {  	s9 =	sor.u32 $0xD0000000, s2;
	s6 =	simm.s32 $0x108;
	_ =	swait.ge @!p0 [sflag:s8], $0x0  }
0x24: {  	s3 =	sadd.s32 $0x88, s3;
	s6 =	simm.s32 @!p1 $0x1082;
	[sflag:s4] =	ssyncset.s32 $0xFFFFF086  }
0x25: {  	[simem:s6], [sflag:s4] =	dma.local [hbm:s3], $0xF7A  }
0x26: {  	[smem:$0x3F9F] =	sst s1;
	(tag) =	ssettag s2;
	_ =	strace s9  }
0x27: {  	s1 =	sld [smem:$0x3FAF]  }
0x28: {  	s2 =	sld [smem:$0x3FB0]  }
0x29: {  	s4 =	sld [smem:$0x3FB2]  }
0x2a: {  	p0 =	seq.s32 s5, $0x0;
	s5 =	sld [smem:$0x3FB3]  }
0x2b: {  	s6 =	sld [smem:$0x3FB4]  }
0x2c: {  	s7 =	sld [smem:$0x3FB5]  }
0x2d: {  	s3 =	simm.s32 $0x108;
	s8 =	sld [smem:$0x3FB6]  }
0x2e: {  	s3 =	simm.s32 @!p0 $0x1082;
	s9 =	sld [smem:$0x3FB7]  }
0x2f: {  	lr =	sadd.s32 s0, s3;
	s0 =	sld [smem:$0x3FAE]  }
0x30: {  	s3 =	sld [smem:$0x3FB1]  }
0x31: {  	[smem:$0x3FBA] =	sst s10  }
0x32: {  	s10 =	sld [smem:$0x3FB8];
	_ =	sdelay $0x3  }
0x33: {  	p0 =	seq.s32 s10, $0x1;
	s10 =	sld [smem:$0x3FBA];
	_ =	sdelay $0x3  }
0x34: {  	[smem:$0x3FBA] =	sst s10  }
0x35: {  	s10 =	sld [smem:$0x3FB9];
	_ =	sdelay $0x3  }
0x36: {  	p1 =	seq.s32 s10, $0x1;
	s10 =	sld [smem:$0x3FBA];
	_ =	sdelay $0x3  }
0x37: {  	[smem:$0x3FBA] =	sst s10  }
0x38: {  	s10 =	sld [smem:$0x3FBB]  }
0x39: {  	_ = 	snop;
	(pc) =	sbr.ind lr, $3  }
0x3a: {  	_ = 	snop  }
0x3b: {  	_ = 	snop  }
0x3c: {  	p2 =	seq.s32 s10, $0x1;
	s10 =	sld [smem:$0x3FBA]  }
0x3d: {  	_ =	shalt  }
0x3e: {  	_ =	shalt  }
0x3f: {  	_ =	shalt  }
0x40: {  	_ =	shalt  }
0x41: {  	_ =	shalt  }
0x42: {  	_ =	shalt  }
0x43: {  	_ =	shalt  }
0x44: {  	_ =	shalt  }
0x45: {  	_ =	shalt  }
0x46: {  	_ =	shalt  }
0x47: {  	_ =	shalt  }
0x48: {  	_ =	shalt  }
0x49: {  	_ =	shalt  }
0x4a: {  	_ =	shalt  }
0x4b: {  	_ =	shalt  }
0x4c: {  	_ =	shalt  }
0x4d: {  	_ =	shalt  }
0x4e: {  	_ =	shalt  }
0x4f: {  	_ =	shalt  }
0x50: {  	_ =	shalt  }
0x51: {  	_ =	shalt  }
0x52: {  	_ =	shalt  }
0x53: {  	_ =	shalt  }
0x54: {  	_ =	shalt  }
0x55: {  	_ =	shalt  }
0x56: {  	_ =	shalt  }
0x57: {  	_ =	shalt  }
0x58: {  	_ =	shalt  }
0x59: {  	_ =	shalt  }
0x5a: {  	_ =	shalt  }
0x5b: {  	_ =	shalt  }
0x5c: {  	_ =	shalt  }
0x5d: {  	_ =	shalt  }
0x5e: {  	_ =	shalt  }
0x5f: {  	_ =	shalt  }
0x60: {  	_ =	shalt  }
0x61: {  	_ =	shalt  }
0x62: {  	_ =	shalt  }
0x63: {  	_ =	shalt  }
0x64: {  	_ =	shalt  }
0x65: {  	_ =	shalt  }
0x66: {  	_ =	shalt  }
0x67: {  	_ =	shalt  }
0x68: {  	_ =	shalt  }
0x69: {  	_ =	shalt  }
0x6a: {  	_ =	shalt  }
0x6b: {  	_ =	shalt  }
0x6c: {  	_ =	shalt  }
0x6d: {  	_ =	shalt  }
0x6e: {  	_ =	shalt  }
0x6f: {  	_ =	shalt  }
0x70: {  	_ =	shalt  }
0x71: {  	_ =	shalt  }
0x72: {  	_ =	shalt  }
0x73: {  	_ =	shalt  }
0x74: {  	_ =	shalt  }
0x75: {  	_ =	shalt  }
0x76: {  	_ =	shalt  }
0x77: {  	_ =	shalt  }
0x78: {  	_ =	shalt  }
0x79: {  	_ =	shalt  }
0x7a: {  	_ =	shalt  }
0x7b: {  	_ =	shalt  }
0x7c: {  	_ =	shalt  }
0x7d: {  	_ =	shalt  }
0x7e: {  	_ =	shalt  }
0x7f: {  	_ =	shalt  }
0x80: {  	_ =	shalt  }
0x81: {  	_ =	shalt  }
0x82: {  	_ =	shalt  }
0x83: {  	_ =	shalt  }
0x84: {  	_ =	shalt  }
0x85: {  	_ =	shalt  }
0x86: {  	_ =	shalt  }
0x87: {  	_ =	shalt  }
.Lfunc_end0:
.L_simem_size_0:
called_computation.1_lowered:
.L_overlay_start_0:
0x88: {  	s2 =	sld [smem:$0x3FD9]  }
0x89: {  	s3 =	sld [smem:$0x3FFE];
	_ =	sdelay $0x1  }
0x8a: {  	s1 =	srdreg.scid  }
0x8b: {  	s0 =	sand.u32 $0x1, s1  }
0x8c: {  	s17 =	sshll.u32 s0, $0xA;
	s2 =	sadd.s32 s3, s2  }
0x8d: {  	s2 =	sadd.s32 s2, s17  }
0x8e: {  	[smem:$0x3FC6] =	sst s2  }
0x8f: {  	_ = 	snop  }
0x90: {  	s2 =	sld [smem:$0x3FD0];
	(tm) =	ssettm $0x1  }
0x91: {  	s18 =	sld [smem:$0x3FFB];
	_ =	sdelay $0x3  }
0x92: {  	_ =	strace s18  }
0x93: {  	s3 =	sld [smem:$0x3FFC];
	_ =	sdelay $0x3  }
0x94: {  	_ =	strace s3  }
0x95: {  	s3 =	sld [smem:$0x3FFD];
	_ =	sdelay $0x3  }
0x96: {  	_ =	strace s3  }
0x97: {  	_ =	strace $0x8FFFFFFF  }
0x98: {  	s19 =	sld [smem:$0x3FDB];
	_ =	sdelay $0x1  }
0x99: {  	s4 =	simm.s32 $_scs_section_size  }
0x9a: {  	s5 =	simm.s32 $_size__tile_overlayer_lowered;
	s6 =	simm.s32 $_tile_overlayer_lowered  }
0x9b: {  	s22 =	simm.s32 $0x1BFF;
	s21 =	sshll.u32 s6, $0x1;
	s3 =	sadd.s32 s4, s19  }
0x9c: {  	s7 =	simm.s32 $0x0;
	s20 =	sshll.u32 s5, $0x1;
	s5 =	sadd.s32 s21, s3  }
0x9d: {  	[timem:s7], [sflag:s22] =	dma.local [hbm:s5], s20  }
0x9e: {  	_ =	swait.ge [sflag:s22], s20  }
0x9f: {  	s4 =	ssub.s32 $0x0, s20;
	[sflag:s22] =	ssyncset.done $0x0  }
0xa0: {  	[sflag:s22] =	ssyncadd.s32 s4;
	_ =	sdelay $0x1  }
0xa1: {  	s23 =	simm.s32 $0x1B8B  }
0xa2: {  	_ =	swait.ge [sflag:s23], $0x1  }
0xa3: {  	[sflag:s23] =	ssyncset.done $0x0  }
0xa4: {  	s25 =	simm.s32 $0x1B8E;
	s24 =	sld [smem:$0x3FFE];
	[sflag:s23] =	ssyncadd.s32 $0xFFFFFFFF  }
0xa5: {  	s26 =	simm.s32 $execute0_lowered;
	[smem:$0x3FD2] =	sst s25  }
0xa6: {  	s5 =	sshll.u32 s26, $0x1;
	_ =	strace $0x80000046;
	[dreg:$0x1] =	wrdreg $0xFFFFFFFF  }
0xa7: {  	s28 =	simm.s32 $_size_execute0_lowered;
	s3 =	sadd.s32 s3, s5;
	[dreg:$0x0] =	wrdreg $0x0  }
0xa8: {  	s5 =	sshll.u32 s28, $0x1;
	[dreg:$0x2] =	wrdreg s3  }
0xa9: {  	[dreg:$0x3] =	wrdreg s5  }
0xaa: {  	[dreg:$0x4] =	wrdreg $0xC0  }
0xab: {  	_ =	task [dreg:s7], $0x5FFFF  }
0xac: {  	[dreg:$0x1] =	wrdreg $0xFFFFFFFF  }
0xad: {  	[dreg:$0x0] =	wrdreg $0x60  }
0xae: {  	[dreg:$0x2] =	wrdreg s2  }
0xaf: {  	[dreg:$0x3] =	wrdreg s24  }
0xb0: {  	[dreg:$0x4] =	wrdreg $0x9  }
0xb1: {  	_ =	task.clear_ibuf [dreg:s7], $0x5FFFF;
	_ =	strace $0x90000046  }
0xb2: {  	s29 =	simm.s32 $0x9;
	_ =	strace $0x80000048  }
0xb3: {  	_ =	swait.ge [sflag:s29], $0x1  }
0xb4: {  	[sflag:s29] =	ssyncadd.s32 $0xFFFFFFFF  }
0xb5: {  	_ =	strace $0x90000048  }
0xb6: {  	_ =	sfence  }
0xb7: {  	s30 =	sld [smem:$0x0];
	_ =	sdelay $0x2  }
0xb8: {  	s31 =	sshll.u32 s1, $0xD;
	s1 =	sshrl.u32 s1, $0x2  }
0xb9: {  	s3 =	sand.u32 $0x4000, s31;
	s1 =	sadd.s32 s1, s30  }
0xba: {  	s0 =	sor.u32 s3, s0;
	s1 =	sshll.u32 s1, $0x11  }
0xbb: {  	s0 =	sor.u32 s1, s0  }
0xbc: {  	s0 =	sadd.s32 $0x8F2B, s0  }
0xbd: {  	[sflag:s0] =	ssyncadd.remote.s32 $0x1  }
0xbe: {  	_ =	sfence.sel $0xFFFF  }
0xbf: {  	[dreg:$0x0] =	wrdreg $0xFFFFFFFF;
	(pc) =	sbr.abs _section_cstart, $3  }
0xc0: {  	[dreg:$0x1] =	wrdreg $0xFFFFFFFF  }
0xc1: {  	_ =	task.clear_ibuf [dreg:s7], $0x2FFFF;
	_ =	strace $0x9FFFFFFF  }
0xc2: {  	(tm) =	ssettm $0x7FFFFFFF  }
0xc3: {  	_ =	shalt  }
tec
execute0_lowered:
.L_overlay_start_1:
0x0: {  	(tag) =	ssettag $0x1  }
0x1: {  	s2 =	rddreg [dreg:$0x0]  }
0x2: {  	s0 =	rddreg [dreg:$0x1];
	s1 =	srdreg.scid  }
0x3: {  	s4 =	stileid.u32;
	s3 =	simm.s32 $0x0;
	s13 =	simm.s32 $0x6  }
0x4: {  	s15 =	simm.s32 $0x4F80;
	s16 =	simm.s32 $0x1;
	s17 =	simm.s32 $0x9E00  }
0x5: {  	s18 =	simm.s32 $0x2;
	s19 =	simm.s32 $0xEC80;
	s20 =	simm.s32 $0x3  }
0x6: {  	s21 =	simm.s32 $0x4;
	s22 =	simm.s32 $0x20;
	s23 =	simm.s32 $0x80  }
0x7: {  	s24 =	simm.s32 $0x5;
	s1 =	sand.u32 $0x1, s1;
	s4 =	sshll.u32 s4, $0x1  }
0x8: {  	s25 =	simm.s32 $0x0;
	[smem:$0x7FF] =	sst s3;
	s4 =	sor.u32 s1, s4  }
0x9: {  	s1 =	ssub.s32 $0x2, s1;
	s5 =	sshll.u32 s4, $0x2;
	s4 =	smul.u32 $0x30D400, s4  }
.Ltmp0:
0xa: {  	_ =	strace $0x80000047;
	s6 =	sshrl.u32 s1, $0x1;
	(pc) =	sbr.rel .LBB2_1-.Ltmp0, $4  }
0xb: {  	s7 =	sadd.s32 s5, s0;
	s5 =	sadd.s32 $0xA00, s0;
	s30 =	ssub.s32 s1, s6  }
0xc: {  	s6 =	sadd.s32 $0x4E20, s4;
	s7 =	sadd.s32 $0x800, s7;
	s31 =	sshrl.u32 s4, $0x3  }
0xd: {  	s10 =	sadd.s32 $0x9C40, s4;
	s11 =	sadd.s32 $0xEA60, s4;
	s9 =	sshrl.u32 s6, $0x3  }
0xe: {  	s12 =	smax.u32 s30, $0x1;
	s8 =	sadd.s32 s2, s31;
	s9 =	sadd.s32 s2, s9  }
.LBB2_8:
0xf: {  	_ =	swait.ge [sflag:s20], $0x4E20  }
0x10: {  	[sflag:s20] =	ssyncset.done $0x0  }
0x11: {  	[sflag:s20] =	ssyncadd.s32 $0xFFFFB1E0  }
0x12: {  	_ =	swait.ge [sflag:s21], $0x4E20  }
0x13: {  	[sflag:s21] =	ssyncset.done $0x0  }
0x14: {  	[sflag:s21] =	ssyncadd.s32 $0xFFFFB1E0  }
0x15: {  	[tilespmem:s23], [sflag:$0x5] =	stream.indirect.gather [hbm4b:s5+s22], $0x1, s3, s22, $0xb8;
	[tilespmem:$0x13B00] =	vst v63  }
0x16: {  	_ =	swait.ge [sflag:s24], $0x20  }
0x17: {  	[sflag:s24] =	ssyncset.done $0x0  }
0x18: {  	[sflag:s24] =	ssyncadd.s32 $0xFFFFFFE0  }
0x19: {  	v0 =	vld [tilespmem:$0x80]  }
0x1a: {  	v1 =	vld [tilespmem:$0x90];
	_ =	sdelay $0x3  }
0x1b: {  	v0 =	vadd.f32 $-1.200000000e+01, v0  }
0x1c: {  	s25 =	sadd.s32 $0x1, s25;
	v1 =	vadd.f32 $-1.200000000e+01, v1  }
0x1d: {  	p0 =	sne.s32 s25, s12;
	[tilespmem:$0x80] =	vst v0  }
.Ltmp1:
0x1e: {  	[tilespmem:$0x90] =	vst v1;
	(pc) =	sbr.rel @!p0 .LBB2_9-.Ltmp1, $4  }
0x1f: {  	[hbm4b:s5+s22] =	stream.indirect.scatter [tilespmem:s23], [sflag:$0x5], $0x1, s3, s22, $0xb8;
	[tilespmem:$0x13B00] =	vst v63  }
0x20: {  	_ =	swait.ge [sflag:s24], $0x20  }
0x21: {  	[sflag:s24] =	ssyncset.done $0x0  }
0x22: {  	[sflag:s24] =	ssyncadd.s32 $0xFFFFFFE0  }
.LBB2_1:
0x23: {  	[tilespmem:s3], [sflag:$0x6] =	stream.linear.gather [hbm4b:s7+s3], $0x20, $0x38;
	[tilespmem:$0x13B00] =	vst v63  }
0x24: {  	_ =	swait.ge [sflag:s13], $0x20  }
0x25: {  	[sflag:s13] =	ssyncset.done $0x0  }
0x26: {  	s0 =	simm.s32 $0x100;
	[sflag:s13] =	ssyncadd.s32 $0xFFFFFFE0  }
0x27: {  	[tilespmem:s0], [sflag:$0x1] =	stream.linear.gather [hbm4b:s8+s3], $0x4E20, $0x38;
	[tilespmem:$0x13B00] =	vst v63  }
0x28: {  	s26 =	simm.s32 $0x0  }
0x29: {  	[tilespmem:s15], [sflag:$0x2] =	stream.linear.gather [hbm4b:s9+s3], $0x4E20, $0x38;
	[tilespmem:$0x13B00] =	vst v63  }
.LBB2_2:
0x2a: {  	_ =	swait.ge [sflag:s16], $0x4E20  }
0x2b: {  	p0 =	seq.s32 s26, $0x0;
	[sflag:s16] =	ssyncset.done $0x0  }
0x2c: {  	s0 =	simm.s32 @!p0 $0x3;
	[sflag:s16] =	ssyncadd.s32 $0xFFFFB1E0  }
0x2d: {  	_ =	swait.ge @!p0 [sflag:s0], $0x4E20  }
0x2e: {  	[sflag:s0] =	ssyncset.done @!p0 $0x0  }
0x2f: {  	s1 =	simm.s32 $0x1C0;
	[sflag:s0] =	ssyncadd.s32 @!p0 $0xFFFFB1E0  }
0x30: {  	v0 =	vld [tilespmem:s1+$0xFFFFFF40];
	_ =	sdelay $0x4  }
0x31: {  	v0 =	vmul.f32 $3.000000000e+01, v0  }
0x32: {  	s29 =	simm.s32 $0x9EC0  }
0x33: {  	[tilespmem:s29+$0xFFFFFF40] =	vst v0  }
0x34: {  	v0 =	vld [tilespmem:s1+$0xFFFFFF50];
	_ =	sdelay $0x4  }
0x35: {  	v0 =	vmul.f32 $3.000000000e+01, v0;
	_ =	sdelay $0x1  }
0x36: {  	[tilespmem:s29+$0xFFFFFF50] =	vst v0  }
0x37: {  	v0 =	vld [tilespmem:s1+$0xFFFFFF60];
	_ =	sdelay $0x4  }
0x38: {  	v0 =	vmul.f32 $3.000000000e+01, v0;
	_ =	sdelay $0x1  }
0x39: {  	[tilespmem:s29+$0xFFFFFF60] =	vst v0  }
0x3a: {  	v0 =	vld [tilespmem:s1+$0xFFFFFF70];
	_ =	sdelay $0x4  }
0x3b: {  	v0 =	vmul.f32 $3.000000000e+01, v0;
	_ =	sdelay $0x1  }
0x3c: {  	[tilespmem:s29+$0xFFFFFF70] =	vst v0  }
0x3d: {  	v0 =	vld [tilespmem:s1+$0xFFFFFF80];
	_ =	sdelay $0x4  }
0x3e: {  	v0 =	vmul.f32 $3.000000000e+01, v0;
	_ =	sdelay $0x1  }
0x3f: {  	[tilespmem:s29+$0xFFFFFF80] =	vst v0  }
0x40: {  	v0 =	vld [tilespmem:s1+$0xFFFFFF90];
	_ =	sdelay $0x4  }
0x41: {  	v0 =	vmul.f32 $3.000000000e+01, v0;
	_ =	sdelay $0x1  }
0x42: {  	[tilespmem:s29+$0xFFFFFF90] =	vst v0  }
0x43: {  	v0 =	vld [tilespmem:s1+$0xFFFFFFA0];
	_ =	sdelay $0x4  }
0x44: {  	v0 =	vmul.f32 $3.000000000e+01, v0;
	_ =	sdelay $0x1  }
0x45: {  	[tilespmem:s29+$0xFFFFFFA0] =	vst v0  }
0x46: {  	v0 =	vld [tilespmem:s1+$0xFFFFFFB0];
	_ =	sdelay $0x4  }
0x47: {  	v0 =	vmul.f32 $3.000000000e+01, v0  }
0x48: {  	s30 =	simm.s32 $0x0  }
0x49: {  	s14 =	sand.u32 $0x7FF0, s30;
	[tilespmem:s29+$0xFFFFFFB0] =	vst v0  }
0x4a: {  	v0 =	vld [tilespmem:s14+$0x180];
	_ =	sdelay $0x4  }
0x4b: {  	v0 =	vmul.f32 $3.000000000e+01, v0;
	_ =	sdelay $0x1  }
0x4c: {  	[tilespmem:s14+$0x9E80] =	vst v0  }
0x4d: {  	v0 =	vld [tilespmem:s1+$0xFFFFFFD0];
	_ =	sdelay $0x4  }
0x4e: {  	v0 =	vmul.f32 $3.000000000e+01, v0;
	_ =	sdelay $0x1  }
0x4f: {  	[tilespmem:s29+$0xFFFFFFD0] =	vst v0  }
0x50: {  	v0 =	vld [tilespmem:s1+$0xFFFFFFE0];
	_ =	sdelay $0x4  }
0x51: {  	v0 =	vmul.f32 $3.000000000e+01, v0;
	_ =	sdelay $0x1  }
0x52: {  	[tilespmem:s29+$0xFFFFFFE0] =	vst v0  }
0x53: {  	v0 =	vld [tilespmem:s1+$0xFFFFFFF0];
	_ =	sdelay $0x4  }
0x54: {  	v0 =	vmul.f32 $3.000000000e+01, v0;
	_ =	sdelay $0x1  }
0x55: {  	[tilespmem:s29+$0xFFFFFFF0] =	vst v0  }
0x56: {  	v0 =	vld [tilespmem:s1+$0x0];
	_ =	sdelay $0x4  }
0x57: {  	v0 =	vmul.f32 $3.000000000e+01, v0;
	_ =	sdelay $0x1  }
0x58: {  	[tilespmem:s29+$0x0] =	vst v0  }
0x59: {  	v0 =	vld [tilespmem:s1+$0x10];
	_ =	sdelay $0x4  }
0x5a: {  	v0 =	vmul.f32 $3.000000000e+01, v0;
	_ =	sdelay $0x1  }
0x5b: {  	[tilespmem:s29+$0x10] =	vst v0  }
0x5c: {  	v0 =	vld [tilespmem:s1+$0x20];
	_ =	sdelay $0x4  }
0x5d: {  	v0 =	vmul.f32 $3.000000000e+01, v0;
	_ =	sdelay $0x1  }
0x5e: {  	[tilespmem:s29+$0x20] =	vst v0  }
0x5f: {  	v0 =	vld [tilespmem:s1+$0x30];
	_ =	sdelay $0x4  }
0x60: {  	v0 =	vmul.f32 $3.000000000e+01, v0;
	_ =	sdelay $0x1  }
0x61: {  	[tilespmem:s29+$0x30] =	vst v0  }
0x62: {  	v0 =	vld [tilespmem:s14+$0x200];
	_ =	sdelay $0x4  }
0x63: {  	v0 =	vmul.f32 $3.000000000e+01, v0;
	_ =	sdelay $0x1  }
0x64: {  	[tilespmem:s14+$0x9F00] =	vst v0  }
0x65: {  	v0 =	vld [tilespmem:s1+$0x50];
	_ =	sdelay $0x4  }
0x66: {  	v0 =	vmul.f32 $3.000000000e+01, v0;
	_ =	sdelay $0x1  }
0x67: {  	[tilespmem:s29+$0x50] =	vst v0  }
0x68: {  	v0 =	vld [tilespmem:s1+$0x60];
	_ =	sdelay $0x4  }
0x69: {  	v0 =	vmul.f32 $3.000000000e+01, v0;
	_ =	sdelay $0x1  }
0x6a: {  	[tilespmem:s29+$0x60] =	vst v0  }
0x6b: {  	v0 =	vld [tilespmem:s1+$0x70];
	_ =	sdelay $0x4  }
0x6c: {  	v0 =	vmul.f32 $3.000000000e+01, v0;
	_ =	sdelay $0x1  }
0x6d: {  	[tilespmem:s29+$0x70] =	vst v0  }
0x6e: {  	v0 =	vld [tilespmem:s1+$0x80];
	_ =	sdelay $0x4  }
0x6f: {  	v0 =	vmul.f32 $3.000000000e+01, v0;
	_ =	sdelay $0x1  }
0x70: {  	[tilespmem:s29+$0x80] =	vst v0  }
0x71: {  	v0 =	vld [tilespmem:s1+$0x90];
	_ =	sdelay $0x4  }
0x72: {  	v0 =	vmul.f32 $3.000000000e+01, v0;
	_ =	sdelay $0x1  }
0x73: {  	[tilespmem:s29+$0x90] =	vst v0  }
0x74: {  	v0 =	vld [tilespmem:s1+$0xA0];
	_ =	sdelay $0x4  }
0x75: {  	v0 =	vmul.f32 $3.000000000e+01, v0;
	_ =	sdelay $0x1  }
0x76: {  	[tilespmem:s29+$0xA0] =	vst v0  }
0x77: {  	v0 =	vld [tilespmem:s1+$0xB0];
	_ =	sdelay $0x4  }
0x78: {  	v0 =	vmul.f32 $3.000000000e+01, v0;
	_ =	sdelay $0x1  }
0x79: {  	[tilespmem:s29+$0xB0] =	vst v0  }
0x7a: {  	v0 =	vld [tilespmem:s14+$0x280];
	_ =	sdelay $0x3  }
0x7b: {  	s28 =	smul.u32 $0x9C40, s26  }
0x7c: {  	v0 =	vmul.f32 $3.000000000e+01, v0  }
0x7d: {  	s31 =	sadd.s32 s4, s28;
	s0 =	simm.s32 $0x0;
	s1 =	simm.s32 $0x350  }
.LBB2_3:
0x7e: {  	s0 =	sadd.s32 $0x19, s0;
	[tilespmem:s14+$0x9F80] =	vst v0;
	s30 =	sadd.s32 $0x190, s30;
	s29 =	sadd.s32 $0x190, s29  }
0x7f: {  	v0 =	vld [tilespmem:s1+$0xFFFFFF40];
	p1 =	slt.u32 s0, $0x4C9;
	_ =	sdelay $0x4  }
0x80: {  	v0 =	vmul.f32 $3.000000000e+01, v0;
	_ =	sdelay $0x1  }
0x81: {  	[tilespmem:s29+$0xFFFFFF40] =	vst v0  }
0x82: {  	v0 =	vld [tilespmem:s1+$0xFFFFFF50];
	_ =	sdelay $0x4  }
0x83: {  	v0 =	vmul.f32 $3.000000000e+01, v0;
	_ =	sdelay $0x1  }
0x84: {  	[tilespmem:s29+$0xFFFFFF50] =	vst v0  }
0x85: {  	v0 =	vld [tilespmem:s1+$0xFFFFFF60];
	_ =	sdelay $0x4  }
0x86: {  	v0 =	vmul.f32 $3.000000000e+01, v0;
	_ =	sdelay $0x1  }
0x87: {  	[tilespmem:s29+$0xFFFFFF60] =	vst v0  }
0x88: {  	v0 =	vld [tilespmem:s1+$0xFFFFFF70];
	_ =	sdelay $0x4  }
0x89: {  	v0 =	vmul.f32 $3.000000000e+01, v0;
	_ =	sdelay $0x1  }
0x8a: {  	[tilespmem:s29+$0xFFFFFF70] =	vst v0  }
0x8b: {  	v0 =	vld [tilespmem:s1+$0xFFFFFF80];
	_ =	sdelay $0x4  }
0x8c: {  	v0 =	vmul.f32 $3.000000000e+01, v0;
	_ =	sdelay $0x1  }
0x8d: {  	[tilespmem:s29+$0xFFFFFF80] =	vst v0  }
0x8e: {  	v0 =	vld [tilespmem:s1+$0xFFFFFF90];
	_ =	sdelay $0x4  }
0x8f: {  	v0 =	vmul.f32 $3.000000000e+01, v0;
	_ =	sdelay $0x1  }
0x90: {  	[tilespmem:s29+$0xFFFFFF90] =	vst v0  }
0x91: {  	v0 =	vld [tilespmem:s1+$0xFFFFFFA0];
	_ =	sdelay $0x4  }
0x92: {  	v0 =	vmul.f32 $3.000000000e+01, v0;
	_ =	sdelay $0x1  }
0x93: {  	[tilespmem:s29+$0xFFFFFFA0] =	vst v0  }
0x94: {  	v0 =	vld [tilespmem:s1+$0xFFFFFFB0];
	_ =	sdelay $0x4  }
0x95: {  	v0 =	vmul.f32 $3.000000000e+01, v0;
	_ =	sdelay $0x1  }
0x96: {  	s14 =	sand.u32 $0x7FF0, s30;
	[tilespmem:s29+$0xFFFFFFB0] =	vst v0  }
0x97: {  	v0 =	vld [tilespmem:s14+$0x180];
	_ =	sdelay $0x4  }
0x98: {  	v0 =	vmul.f32 $3.000000000e+01, v0;
	_ =	sdelay $0x1  }
0x99: {  	[tilespmem:s14+$0x9E80] =	vst v0  }
0x9a: {  	v0 =	vld [tilespmem:s1+$0xFFFFFFD0];
	_ =	sdelay $0x4  }
0x9b: {  	v0 =	vmul.f32 $3.000000000e+01, v0;
	_ =	sdelay $0x1  }
0x9c: {  	[tilespmem:s29+$0xFFFFFFD0] =	vst v0  }
0x9d: {  	v0 =	vld [tilespmem:s1+$0xFFFFFFE0];
	_ =	sdelay $0x4  }
0x9e: {  	v0 =	vmul.f32 $3.000000000e+01, v0;
	_ =	sdelay $0x1  }
0x9f: {  	[tilespmem:s29+$0xFFFFFFE0] =	vst v0  }
0xa0: {  	v0 =	vld [tilespmem:s1+$0xFFFFFFF0];
	_ =	sdelay $0x4  }
0xa1: {  	v0 =	vmul.f32 $3.000000000e+01, v0;
	_ =	sdelay $0x1  }
0xa2: {  	[tilespmem:s29+$0xFFFFFFF0] =	vst v0  }
0xa3: {  	v0 =	vld [tilespmem:s1+$0x0];
	_ =	sdelay $0x4  }
0xa4: {  	v0 =	vmul.f32 $3.000000000e+01, v0;
	_ =	sdelay $0x1  }
0xa5: {  	[tilespmem:s29+$0x0] =	vst v0  }
0xa6: {  	v0 =	vld [tilespmem:s1+$0x10];
	_ =	sdelay $0x4  }
0xa7: {  	v0 =	vmul.f32 $3.000000000e+01, v0;
	_ =	sdelay $0x1  }
0xa8: {  	[tilespmem:s29+$0x10] =	vst v0  }
0xa9: {  	v0 =	vld [tilespmem:s1+$0x20];
	_ =	sdelay $0x4  }
0xaa: {  	v0 =	vmul.f32 $3.000000000e+01, v0;
	_ =	sdelay $0x1  }
0xab: {  	[tilespmem:s29+$0x20] =	vst v0  }
0xac: {  	v0 =	vld [tilespmem:s1+$0x30];
	_ =	sdelay $0x4  }
0xad: {  	v0 =	vmul.f32 $3.000000000e+01, v0;
	_ =	sdelay $0x1  }
0xae: {  	[tilespmem:s29+$0x30] =	vst v0  }
0xaf: {  	v0 =	vld [tilespmem:s14+$0x200];
	_ =	sdelay $0x4  }
0xb0: {  	v0 =	vmul.f32 $3.000000000e+01, v0;
	_ =	sdelay $0x1  }
0xb1: {  	[tilespmem:s14+$0x9F00] =	vst v0  }
0xb2: {  	v0 =	vld [tilespmem:s1+$0x50];
	_ =	sdelay $0x4  }
0xb3: {  	v0 =	vmul.f32 $3.000000000e+01, v0;
	_ =	sdelay $0x1  }
0xb4: {  	[tilespmem:s29+$0x50] =	vst v0  }
0xb5: {  	v0 =	vld [tilespmem:s1+$0x60];
	_ =	sdelay $0x4  }
0xb6: {  	v0 =	vmul.f32 $3.000000000e+01, v0;
	_ =	sdelay $0x1  }
0xb7: {  	[tilespmem:s29+$0x60] =	vst v0  }
0xb8: {  	v0 =	vld [tilespmem:s1+$0x70];
	_ =	sdelay $0x4  }
0xb9: {  	v0 =	vmul.f32 $3.000000000e+01, v0;
	_ =	sdelay $0x1  }
0xba: {  	[tilespmem:s29+$0x70] =	vst v0  }
0xbb: {  	v0 =	vld [tilespmem:s1+$0x80];
	_ =	sdelay $0x4  }
0xbc: {  	v0 =	vmul.f32 $3.000000000e+01, v0;
	_ =	sdelay $0x1  }
0xbd: {  	[tilespmem:s29+$0x80] =	vst v0  }
0xbe: {  	v0 =	vld [tilespmem:s1+$0x90];
	_ =	sdelay $0x4  }
0xbf: {  	v0 =	vmul.f32 $3.000000000e+01, v0;
	_ =	sdelay $0x1  }
0xc0: {  	[tilespmem:s29+$0x90] =	vst v0  }
0xc1: {  	v0 =	vld [tilespmem:s1+$0xA0];
	_ =	sdelay $0x4  }
0xc2: {  	v0 =	vmul.f32 $3.000000000e+01, v0;
	_ =	sdelay $0x1  }
0xc3: {  	[tilespmem:s29+$0xA0] =	vst v0  }
0xc4: {  	v0 =	vld [tilespmem:s1+$0xB0];
	_ =	sdelay $0x4  }
0xc5: {  	v0 =	vmul.f32 $3.000000000e+01, v0;
	_ =	sdelay $0x1  }
0xc6: {  	[tilespmem:s29+$0xB0] =	vst v0  }
0xc7: {  	v0 =	vld [tilespmem:s14+$0x280];
	_ =	sdelay $0x1  }
.Ltmp2:
0xc8: {  	(pc) =	sbr.rel @p1 .LBB2_3-.Ltmp2, $3  }
0xc9: {  	_ =	sdelay $0x1  }
0xca: {  	v0 =	vmul.f32 $3.000000000e+01, v0  }
0xcb: {  	s1 =	sadd.s32 $0x190, s1  }
0xcc: {  	s0 =	sshrl.u32 s31, $0x3  }
0xcd: {  	[tilespmem:s14+$0x9F80] =	vst v0;
	p1 =	seq.s32 s26, $0x4F;
	s0 =	sadd.s32 s5, s0  }
0xce: {  	[hbm4b:s0+s3] =	stream.linear.scatter [tilespmem:s17], [sflag:$0x3], $0x4E20, $0x38;
	[tilespmem:$0x13B00] =	vst v63  }
0xcf: {  	s0 =	sadd.s32 @!p1 s28, s10  }
0xd0: {  	s0 =	sshrl.u32 @!p1 s0, $0x3  }
0xd1: {  	s1 =	simm.s32 @!p1 $0x0;
	s14 =	simm.s32 @!p1 $0x100;
	s0 =	sadd.s32 @!p1 s2, s0  }
0xd2: {  	[tilespmem:s14], [sflag:$0x1] =	stream.linear.gather @!p1 [hbm4b:s0+s1], $0x4E20, $0x38;
	[tilespmem:$0x13B00] =	vst v63  }
0xd3: {  	_ =	swait.ge [sflag:s18], $0x4E20  }
0xd4: {  	[sflag:s18] =	ssyncset.done $0x0  }
0xd5: {  	s0 =	simm.s32 @!p0 $0x4;
	[sflag:s18] =	ssyncadd.s32 $0xFFFFB1E0  }
0xd6: {  	_ =	swait.ge @!p0 [sflag:s0], $0x4E20  }
0xd7: {  	[sflag:s0] =	ssyncset.done @!p0 $0x0  }
0xd8: {  	s1 =	simm.s32 $0x5040;
	[sflag:s0] =	ssyncadd.s32 @!p0 $0xFFFFB1E0  }
0xd9: {  	v0 =	vld [tilespmem:s1+$0xFFFFFF40];
	_ =	sdelay $0x4  }
0xda: {  	v0 =	vmul.f32 $3.000000000e+01, v0  }
0xdb: {  	s29 =	simm.s32 $0xED40  }
0xdc: {  	[tilespmem:s29+$0xFFFFFF40] =	vst v0  }
0xdd: {  	v0 =	vld [tilespmem:s1+$0xFFFFFF50];
	_ =	sdelay $0x4  }
0xde: {  	v0 =	vmul.f32 $3.000000000e+01, v0;
	_ =	sdelay $0x1  }
0xdf: {  	[tilespmem:s29+$0xFFFFFF50] =	vst v0  }
0xe0: {  	v0 =	vld [tilespmem:s1+$0xFFFFFF60];
	_ =	sdelay $0x4  }
0xe1: {  	v0 =	vmul.f32 $3.000000000e+01, v0;
	_ =	sdelay $0x1  }
0xe2: {  	[tilespmem:s29+$0xFFFFFF60] =	vst v0  }
0xe3: {  	v0 =	vld [tilespmem:s1+$0xFFFFFF70];
	_ =	sdelay $0x4  }
0xe4: {  	v0 =	vmul.f32 $3.000000000e+01, v0;
	_ =	sdelay $0x1  }
0xe5: {  	[tilespmem:s29+$0xFFFFFF70] =	vst v0  }
0xe6: {  	v0 =	vld [tilespmem:s1+$0xFFFFFF80];
	_ =	sdelay $0x4  }
0xe7: {  	v0 =	vmul.f32 $3.000000000e+01, v0;
	_ =	sdelay $0x1  }
0xe8: {  	[tilespmem:s29+$0xFFFFFF80] =	vst v0  }
0xe9: {  	v0 =	vld [tilespmem:s1+$0xFFFFFF90];
	_ =	sdelay $0x4  }
0xea: {  	v0 =	vmul.f32 $3.000000000e+01, v0;
	_ =	sdelay $0x1  }
0xeb: {  	[tilespmem:s29+$0xFFFFFF90] =	vst v0  }
0xec: {  	v0 =	vld [tilespmem:s1+$0xFFFFFFA0];
	_ =	sdelay $0x4  }
0xed: {  	v0 =	vmul.f32 $3.000000000e+01, v0;
	_ =	sdelay $0x1  }
0xee: {  	[tilespmem:s29+$0xFFFFFFA0] =	vst v0  }
0xef: {  	v0 =	vld [tilespmem:s1+$0xFFFFFFB0];
	_ =	sdelay $0x4  }
0xf0: {  	v0 =	vmul.f32 $3.000000000e+01, v0  }
0xf1: {  	s30 =	simm.s32 $0x0  }
0xf2: {  	s14 =	sand.u32 $0x7FF0, s30;
	[tilespmem:s29+$0xFFFFFFB0] =	vst v0  }
0xf3: {  	v0 =	vld [tilespmem:s14+$0x5000];
	_ =	sdelay $0x4  }
0xf4: {  	v0 =	vmul.f32 $3.000000000e+01, v0;
	_ =	sdelay $0x1  }
0xf5: {  	[tilespmem:s14+$0xED00] =	vst v0  }
0xf6: {  	v0 =	vld [tilespmem:s1+$0xFFFFFFD0];
	_ =	sdelay $0x4  }
0xf7: {  	v0 =	vmul.f32 $3.000000000e+01, v0;
	_ =	sdelay $0x1  }
0xf8: {  	[tilespmem:s29+$0xFFFFFFD0] =	vst v0  }
0xf9: {  	v0 =	vld [tilespmem:s1+$0xFFFFFFE0];
	_ =	sdelay $0x4  }
0xfa: {  	v0 =	vmul.f32 $3.000000000e+01, v0;
	_ =	sdelay $0x1  }
0xfb: {  	[tilespmem:s29+$0xFFFFFFE0] =	vst v0  }
0xfc: {  	v0 =	vld [tilespmem:s1+$0xFFFFFFF0];
	_ =	sdelay $0x4  }
0xfd: {  	v0 =	vmul.f32 $3.000000000e+01, v0;
	_ =	sdelay $0x1  }
0xfe: {  	[tilespmem:s29+$0xFFFFFFF0] =	vst v0  }
0xff: {  	v0 =	vld [tilespmem:s1+$0x0];
	_ =	sdelay $0x4  }
0x100: {  	v0 =	vmul.f32 $3.000000000e+01, v0;
	_ =	sdelay $0x1  }
0x101: {  	[tilespmem:s29+$0x0] =	vst v0  }
0x102: {  	v0 =	vld [tilespmem:s1+$0x10];
	_ =	sdelay $0x4  }
0x103: {  	v0 =	vmul.f32 $3.000000000e+01, v0;
	_ =	sdelay $0x1  }
0x104: {  	[tilespmem:s29+$0x10] =	vst v0  }
0x105: {  	v0 =	vld [tilespmem:s1+$0x20];
	_ =	sdelay $0x4  }
0x106: {  	v0 =	vmul.f32 $3.000000000e+01, v0;
	_ =	sdelay $0x1  }
0x107: {  	[tilespmem:s29+$0x20] =	vst v0  }
0x108: {  	v0 =	vld [tilespmem:s1+$0x30];
	_ =	sdelay $0x4  }
0x109: {  	v0 =	vmul.f32 $3.000000000e+01, v0;
	_ =	sdelay $0x1  }
0x10a: {  	[tilespmem:s29+$0x30] =	vst v0  }
0x10b: {  	v0 =	vld [tilespmem:s14+$0x5080];
	_ =	sdelay $0x4  }
0x10c: {  	v0 =	vmul.f32 $3.000000000e+01, v0;
	_ =	sdelay $0x1  }
0x10d: {  	[tilespmem:s14+$0xED80] =	vst v0  }
0x10e: {  	v0 =	vld [tilespmem:s1+$0x50];
	_ =	sdelay $0x4  }
0x10f: {  	v0 =	vmul.f32 $3.000000000e+01, v0;
	_ =	sdelay $0x1  }
0x110: {  	[tilespmem:s29+$0x50] =	vst v0  }
0x111: {  	v0 =	vld [tilespmem:s1+$0x60];
	_ =	sdelay $0x4  }
0x112: {  	v0 =	vmul.f32 $3.000000000e+01, v0;
	_ =	sdelay $0x1  }
0x113: {  	[tilespmem:s29+$0x60] =	vst v0  }
0x114: {  	v0 =	vld [tilespmem:s1+$0x70];
	_ =	sdelay $0x4  }
0x115: {  	v0 =	vmul.f32 $3.000000000e+01, v0;
	_ =	sdelay $0x1  }
0x116: {  	[tilespmem:s29+$0x70] =	vst v0  }
0x117: {  	v0 =	vld [tilespmem:s1+$0x80];
	_ =	sdelay $0x4  }
0x118: {  	v0 =	vmul.f32 $3.000000000e+01, v0;
	_ =	sdelay $0x1  }
0x119: {  	[tilespmem:s29+$0x80] =	vst v0  }
0x11a: {  	v0 =	vld [tilespmem:s1+$0x90];
	_ =	sdelay $0x4  }
0x11b: {  	v0 =	vmul.f32 $3.000000000e+01, v0;
	_ =	sdelay $0x1  }
0x11c: {  	[tilespmem:s29+$0x90] =	vst v0  }
0x11d: {  	v0 =	vld [tilespmem:s1+$0xA0];
	_ =	sdelay $0x4  }
0x11e: {  	v0 =	vmul.f32 $3.000000000e+01, v0;
	_ =	sdelay $0x1  }
0x11f: {  	[tilespmem:s29+$0xA0] =	vst v0  }
0x120: {  	v0 =	vld [tilespmem:s1+$0xB0];
	_ =	sdelay $0x4  }
0x121: {  	v0 =	vmul.f32 $3.000000000e+01, v0;
	_ =	sdelay $0x1  }
0x122: {  	[tilespmem:s29+$0xB0] =	vst v0  }
0x123: {  	v0 =	vld [tilespmem:s14+$0x5100];
	_ =	sdelay $0x4  }
0x124: {  	v0 =	vmul.f32 $3.000000000e+01, v0  }
0x125: {  	s31 =	sadd.s32 s28, s6;
	s0 =	simm.s32 $0x0;
	s1 =	simm.s32 $0x51D0  }
.LBB2_5:
0x126: {  	s0 =	sadd.s32 $0x19, s0;
	[tilespmem:s14+$0xEE00] =	vst v0;
	s30 =	sadd.s32 $0x190, s30;
	s29 =	sadd.s32 $0x190, s29  }
0x127: {  	v0 =	vld [tilespmem:s1+$0xFFFFFF40];
	p0 =	slt.u32 s0, $0x4C9;
	_ =	sdelay $0x4  }
0x128: {  	v0 =	vmul.f32 $3.000000000e+01, v0;
	_ =	sdelay $0x1  }
0x129: {  	[tilespmem:s29+$0xFFFFFF40] =	vst v0  }
0x12a: {  	v0 =	vld [tilespmem:s1+$0xFFFFFF50];
	_ =	sdelay $0x4  }
0x12b: {  	v0 =	vmul.f32 $3.000000000e+01, v0;
	_ =	sdelay $0x1  }
0x12c: {  	[tilespmem:s29+$0xFFFFFF50] =	vst v0  }
0x12d: {  	v0 =	vld [tilespmem:s1+$0xFFFFFF60];
	_ =	sdelay $0x4  }
0x12e: {  	v0 =	vmul.f32 $3.000000000e+01, v0;
	_ =	sdelay $0x1  }
0x12f: {  	[tilespmem:s29+$0xFFFFFF60] =	vst v0  }
0x130: {  	v0 =	vld [tilespmem:s1+$0xFFFFFF70];
	_ =	sdelay $0x4  }
0x131: {  	v0 =	vmul.f32 $3.000000000e+01, v0;
	_ =	sdelay $0x1  }
0x132: {  	[tilespmem:s29+$0xFFFFFF70] =	vst v0  }
0x133: {  	v0 =	vld [tilespmem:s1+$0xFFFFFF80];
	_ =	sdelay $0x4  }
0x134: {  	v0 =	vmul.f32 $3.000000000e+01, v0;
	_ =	sdelay $0x1  }
0x135: {  	[tilespmem:s29+$0xFFFFFF80] =	vst v0  }
0x136: {  	v0 =	vld [tilespmem:s1+$0xFFFFFF90];
	_ =	sdelay $0x4  }
0x137: {  	v0 =	vmul.f32 $3.000000000e+01, v0;
	_ =	sdelay $0x1  }
0x138: {  	[tilespmem:s29+$0xFFFFFF90] =	vst v0  }
0x139: {  	v0 =	vld [tilespmem:s1+$0xFFFFFFA0];
	_ =	sdelay $0x4  }
0x13a: {  	v0 =	vmul.f32 $3.000000000e+01, v0;
	_ =	sdelay $0x1  }
0x13b: {  	[tilespmem:s29+$0xFFFFFFA0] =	vst v0  }
0x13c: {  	v0 =	vld [tilespmem:s1+$0xFFFFFFB0];
	_ =	sdelay $0x4  }
0x13d: {  	v0 =	vmul.f32 $3.000000000e+01, v0;
	_ =	sdelay $0x1  }
0x13e: {  	s14 =	sand.u32 $0x7FF0, s30;
	[tilespmem:s29+$0xFFFFFFB0] =	vst v0  }
0x13f: {  	v0 =	vld [tilespmem:s14+$0x5000];
	_ =	sdelay $0x4  }
0x140: {  	v0 =	vmul.f32 $3.000000000e+01, v0;
	_ =	sdelay $0x1  }
0x141: {  	[tilespmem:s14+$0xED00] =	vst v0  }
0x142: {  	v0 =	vld [tilespmem:s1+$0xFFFFFFD0];
	_ =	sdelay $0x4  }
0x143: {  	v0 =	vmul.f32 $3.000000000e+01, v0;
	_ =	sdelay $0x1  }
0x144: {  	[tilespmem:s29+$0xFFFFFFD0] =	vst v0  }
0x145: {  	v0 =	vld [tilespmem:s1+$0xFFFFFFE0];
	_ =	sdelay $0x4  }
0x146: {  	v0 =	vmul.f32 $3.000000000e+01, v0;
	_ =	sdelay $0x1  }
0x147: {  	[tilespmem:s29+$0xFFFFFFE0] =	vst v0  }
0x148: {  	v0 =	vld [tilespmem:s1+$0xFFFFFFF0];
	_ =	sdelay $0x4  }
0x149: {  	v0 =	vmul.f32 $3.000000000e+01, v0;
	_ =	sdelay $0x1  }
0x14a: {  	[tilespmem:s29+$0xFFFFFFF0] =	vst v0  }
0x14b: {  	v0 =	vld [tilespmem:s1+$0x0];
	_ =	sdelay $0x4  }
0x14c: {  	v0 =	vmul.f32 $3.000000000e+01, v0;
	_ =	sdelay $0x1  }
0x14d: {  	[tilespmem:s29+$0x0] =	vst v0  }
0x14e: {  	v0 =	vld [tilespmem:s1+$0x10];
	_ =	sdelay $0x4  }
0x14f: {  	v0 =	vmul.f32 $3.000000000e+01, v0;
	_ =	sdelay $0x1  }
0x150: {  	[tilespmem:s29+$0x10] =	vst v0  }
0x151: {  	v0 =	vld [tilespmem:s1+$0x20];
	_ =	sdelay $0x4  }
0x152: {  	v0 =	vmul.f32 $3.000000000e+01, v0;
	_ =	sdelay $0x1  }
0x153: {  	[tilespmem:s29+$0x20] =	vst v0  }
0x154: {  	v0 =	vld [tilespmem:s1+$0x30];
	_ =	sdelay $0x4  }
0x155: {  	v0 =	vmul.f32 $3.000000000e+01, v0;
	_ =	sdelay $0x1  }
0x156: {  	[tilespmem:s29+$0x30] =	vst v0  }
0x157: {  	v0 =	vld [tilespmem:s14+$0x5080];
	_ =	sdelay $0x4  }
0x158: {  	v0 =	vmul.f32 $3.000000000e+01, v0;
	_ =	sdelay $0x1  }
0x159: {  	[tilespmem:s14+$0xED80] =	vst v0  }
0x15a: {  	v0 =	vld [tilespmem:s1+$0x50];
	_ =	sdelay $0x4  }
0x15b: {  	v0 =	vmul.f32 $3.000000000e+01, v0;
	_ =	sdelay $0x1  }
0x15c: {  	[tilespmem:s29+$0x50] =	vst v0  }
0x15d: {  	v0 =	vld [tilespmem:s1+$0x60];
	_ =	sdelay $0x4  }
0x15e: {  	v0 =	vmul.f32 $3.000000000e+01, v0;
	_ =	sdelay $0x1  }
0x15f: {  	[tilespmem:s29+$0x60] =	vst v0  }
0x160: {  	v0 =	vld [tilespmem:s1+$0x70];
	_ =	sdelay $0x4  }
0x161: {  	v0 =	vmul.f32 $3.000000000e+01, v0;
	_ =	sdelay $0x1  }
0x162: {  	[tilespmem:s29+$0x70] =	vst v0  }
0x163: {  	v0 =	vld [tilespmem:s1+$0x80];
	_ =	sdelay $0x4  }
0x164: {  	v0 =	vmul.f32 $3.000000000e+01, v0;
	_ =	sdelay $0x1  }
0x165: {  	[tilespmem:s29+$0x80] =	vst v0  }
0x166: {  	v0 =	vld [tilespmem:s1+$0x90];
	_ =	sdelay $0x4  }
0x167: {  	v0 =	vmul.f32 $3.000000000e+01, v0;
	_ =	sdelay $0x1  }
0x168: {  	[tilespmem:s29+$0x90] =	vst v0  }
0x169: {  	v0 =	vld [tilespmem:s1+$0xA0];
	_ =	sdelay $0x4  }
0x16a: {  	v0 =	vmul.f32 $3.000000000e+01, v0;
	_ =	sdelay $0x1  }
0x16b: {  	[tilespmem:s29+$0xA0] =	vst v0  }
0x16c: {  	v0 =	vld [tilespmem:s1+$0xB0];
	_ =	sdelay $0x4  }
0x16d: {  	v0 =	vmul.f32 $3.000000000e+01, v0;
	_ =	sdelay $0x1  }
0x16e: {  	[tilespmem:s29+$0xB0] =	vst v0  }
0x16f: {  	v0 =	vld [tilespmem:s14+$0x5100];
	_ =	sdelay $0x1  }
.Ltmp3:
0x170: {  	(pc) =	sbr.rel @p0 .LBB2_5-.Ltmp3, $3  }
0x171: {  	_ =	sdelay $0x1  }
0x172: {  	v0 =	vmul.f32 $3.000000000e+01, v0  }
0x173: {  	s1 =	sadd.s32 $0x190, s1  }
.Ltmp4:
0x174: {  	(pc) =	sbr.rel @p1 .LBB2_8-.Ltmp4, $4  }
0x175: {  	_ = 	snop  }
0x176: {  	s0 =	sshrl.u32 s31, $0x3  }
0x177: {  	[tilespmem:s14+$0xEE00] =	vst v0;
	s0 =	sadd.s32 s5, s0  }
0x178: {  	[hbm4b:s0+s3] =	stream.linear.scatter [tilespmem:s19], [sflag:$0x4], $0x4E20, $0x38;
	[tilespmem:$0x13B00] =	vst v63  }
.Ltmp5:
0x179: {  	(pc) =	sbr.rel .LBB2_2-.Ltmp5, $4  }
0x17a: {  	s0 =	sadd.s32 s28, s11  }
0x17b: {  	s0 =	sshrl.u32 s0, $0x3  }
0x17c: {  	s26 =	sadd.s32 $0x1, s26;
	s0 =	sadd.s32 s2, s0  }
0x17d: {  	[tilespmem:s15], [sflag:$0x2] =	stream.linear.gather [hbm4b:s0+s3], $0x4E20, $0x38;
	[tilespmem:$0x13B00] =	vst v63  }
.LBB2_9:
0x17e: {  	_ =	sfence.sel $0x180000  }
0x17f: {  	[bflag:$0x0] =	sbarrier.arrive $0xFFFF  }
0x180: {  	_ =	strace $0x90000047  }
0x181: {  	s0 =	stileid.u32;
	[bflag:$0x2] =	sbarrier.arrive $0xFFFF  }
0x182: {  	p0 =	sne.s32 s0, $0x0;
	s0 =	rddreg [dreg:$0x2]  }
0x183: {  	s0 =	sadd.s32 @!p0 $0x100000, s0  }
0x184: {  	[sflag:s0] =	ssyncadd.tile.s32 @!p0 $0x1;
	_ =	shalt  }
.Lfunc_end2:
_tile_overlayer_lowered:
.L_overlay_start_2:
0x185: {  	(tag) =	ssettag $0x2  }
0x186: {  	s0 =	rddreg [dreg:$0x0];
	s2 =	stileid.u32  }
0x187: {  	s1 =	rddreg [dreg:$0x1];
	p0 =	sne.s32 s2, $0x0  }
0x188: {  	s3 =	rddreg [dreg:$0x2];
	[bflag:$0x3] =	sbarrier.arrive $0xFFFF;
	s2 =	simm.s32 @!p0 $0x1C06  }
0x189: {  	[timem:s3], [sflag:s2] =	dma.local @!p0 [hbm:s0], s1  }
0x18a: {  	s0 =	simm.s32 @!p0 $0x6  }
0x18b: {  	_ =	swait.ge @!p0 [sflag:s0], s1  }
0x18c: {  	s1 =	ssub.s32 @!p0 $0x0, s1;
	[sflag:s0] =	ssyncset.done @!p0 $0x0  }
0x18d: {  	[sflag:s0] =	ssyncadd.s32 @!p0 s1  }
0x18e: {  	[bflag:$0x3] =	sbarrier.arrive $0xFFFF  }
0x18f: {  	_ =	shalt  }

// kernel: sparse-core-data-format-call.cloned.1.call-start
scs
called_computation_lowered:
.L_overlay_start_0:
0x0: {  	s2 =	sld [smem:$0x3FD9]  }
0x1: {  	s3 =	sld [smem:$0x3FFE];
	_ =	sdelay $0x1  }
0x2: {  	s1 =	srdreg.scid  }
0x3: {  	s0 =	sand.u32 $0x1, s1  }
0x4: {  	s18 =	sshll.u32 s0, $0xA;
	s2 =	sadd.s32 s3, s2  }
0x5: {  	s2 =	sadd.s32 s2, s18  }
0x6: {  	[smem:$0x3FC6] =	sst s2  }
0x7: {  	_ = 	snop  }
0x8: {  	s2 =	sld [smem:$0x3FD0];
	(tm) =	ssettm $0x1  }
0x9: {  	s19 =	sld [smem:$0x3FFB];
	_ =	sdelay $0x3  }
0xa: {  	_ =	strace s19  }
0xb: {  	s3 =	sld [smem:$0x3FFC];
	_ =	sdelay $0x3  }
0xc: {  	_ =	strace s3  }
0xd: {  	s3 =	sld [smem:$0x3FFD];
	_ =	sdelay $0x3  }
0xe: {  	_ =	strace s3  }
0xf: {  	_ =	strace $0x8FFFFFFF  }
0x10: {  	s20 =	sld [smem:$0x3FDB];
	_ =	sdelay $0x1  }
0x11: {  	s4 =	simm.s32 $_scs_section_size  }
0x12: {  	s5 =	simm.s32 $_size__tile_overlayer_lowered;
	s6 =	simm.s32 $_tile_overlayer_lowered  }
0x13: {  	s23 =	simm.s32 $0x1BFF;
	s22 =	sshll.u32 s6, $0x1;
	s3 =	sadd.s32 s4, s20  }
0x14: {  	s7 =	simm.s32 $0x0;
	s21 =	sshll.u32 s5, $0x1;
	s5 =	sadd.s32 s22, s3  }
0x15: {  	[timem:s7], [sflag:s23] =	dma.local [hbm:s5], s21  }
0x16: {  	_ =	swait.ge [sflag:s23], s21  }
0x17: {  	s4 =	ssub.s32 $0x0, s21;
	[sflag:s23] =	ssyncset.done $0x0  }
0x18: {  	[sflag:s23] =	ssyncadd.s32 s4;
	_ =	sdelay $0x1  }
0x19: {  	s24 =	simm.s32 $0x1B8B  }
0x1a: {  	_ =	swait.ge [sflag:s24], $0x1  }
0x1b: {  	[sflag:s24] =	ssyncset.done $0x0  }
0x1c: {  	s26 =	simm.s32 $0x1B8E;
	s25 =	sld [smem:$0x3FFE];
	[sflag:s24] =	ssyncadd.s32 $0xFFFFFFFF  }
0x1d: {  	s27 =	simm.s32 $execute0_lowered;
	[smem:$0x3FD2] =	sst s26  }
0x1e: {  	s5 =	sshll.u32 s27, $0x1;
	_ =	strace $0x80000049;
	[dreg:$0x1] =	wrdreg $0xFFFFFFFF  }
0x1f: {  	s28 =	simm.s32 $_size_execute0_lowered;
	s3 =	sadd.s32 s3, s5;
	[dreg:$0x0] =	wrdreg $0x0  }
0x20: {  	s5 =	sshll.u32 s28, $0x1;
	[dreg:$0x2] =	wrdreg s3  }
0x21: {  	[dreg:$0x3] =	wrdreg s5  }
0x22: {  	[dreg:$0x4] =	wrdreg $0xC0  }
0x23: {  	_ =	task [dreg:s7], $0x5FFFF  }
0x24: {  	[dreg:$0x1] =	wrdreg $0xFFFFFFFF  }
0x25: {  	[dreg:$0x0] =	wrdreg $0x60  }
0x26: {  	[dreg:$0x2] =	wrdreg s25  }
0x27: {  	[dreg:$0x3] =	wrdreg s2  }
0x28: {  	[dreg:$0x4] =	wrdreg $0x9  }
0x29: {  	_ =	task.clear_ibuf [dreg:s7], $0x5FFFF;
	_ =	strace $0x90000049  }
0x2a: {  	s29 =	simm.s32 $0x9;
	_ =	strace $0x8000004B  }
0x2b: {  	_ =	swait.ge [sflag:s29], $0x1  }
0x2c: {  	[sflag:s29] =	ssyncadd.s32 $0xFFFFFFFF  }
0x2d: {  	_ =	strace $0x9000004B  }
0x2e: {  	_ =	sfence  }
0x2f: {  	s30 =	sld [smem:$0x0];
	_ =	sdelay $0x2  }
0x30: {  	s31 =	sshll.u32 s1, $0xD;
	s1 =	sshrl.u32 s1, $0x2  }
0x31: {  	s3 =	sand.u32 $0x4000, s31;
	s1 =	sadd.s32 s1, s30  }
0x32: {  	s0 =	sor.u32 s3, s0;
	s1 =	sshll.u32 s1, $0x11  }
0x33: {  	s0 =	sor.u32 s1, s0  }
0x34: {  	s0 =	sadd.s32 $0x8F2B, s0  }
0x35: {  	[sflag:s0] =	ssyncadd.remote.s32 $0x1  }
0x36: {  	_ =	sfence.sel $0xFFFF  }
0x37: {  	[dreg:$0x0] =	wrdreg $0xFFFFFFFF;
	(pc) =	sbr.abs _section_cstart, $3  }
0x38: {  	[dreg:$0x1] =	wrdreg $0xFFFFFFFF  }
0x39: {  	_ =	task.clear_ibuf [dreg:s7], $0x2FFFF;
	_ =	strace $0x9FFFFFFF  }
0x3a: {  	(tm) =	ssettm $0x7FFFFFFF  }
0x3b: {  	_ =	shalt  }
tec
execute0_lowered:
.L_overlay_start_1:
0x0: {  	(tag) =	ssettag $0x1  }
0x1: {  	s0 =	stileid.u32  }
0x2: {  	s2 =	srdreg.scid;
	s7 =	rddreg [dreg:$0x0]  }
0x3: {  	s6 =	simm.s32 $0x1;
	s31 =	simm.s32 $0x2;
	s16 =	simm.s32 $0x0  }
0x4: {  	s9 =	simm.s32 $0x2000;
	s15 =	simm.s32 $0x0;
	s10 =	simm.s32 $0x0  }
0x5: {  	s11 =	simm.s32 $0x0;
	s14 =	simm.s32 $0x0;
	s1 =	sshll.u32 s0, $0x7  }
0x6: {  	s3 =	sshll.u32 s0, $0x4;
	s2 =	sshll.u32 s2, $0x8;
	s1 =	sand.u32 $0x380, s1  }
0x7: {  	s7 =	sadd.s32 $0xC35A00, s7;
	s2 =	sor.u32 s3, s2;
	s5 =	ssub.s32 $0x400, s1  }
0x8: {  	s3 =	rddreg [dreg:$0x1];
	s4 =	sand.u32 $0x180, s2;
	s29 =	sand.u32 $0x380, s5  }
0x9: {  	s30 =	ssub.s32 $0x18680, s4;
	s5 =	sshrl.u32 s5, $0xA;
	p0 =	sne.s32 s29, $0x0  }
.Ltmp0:
0xa: {  	s8 =	sshrl.u32 s30, $0x9;
	s6 =	simm.s32 @!p0 $0x0;
	(pc) =	sbr.rel .LBB1_1-.Ltmp0, $4  }
0xb: {  	s2 =	rddreg [dreg:$0x2];
	s8 =	sadd.s32 $0x1, s8;
	s6 =	sadd.s32 s6, s5  }
0xc: {  	_ =	strace $0x8000004A;
	s5 =	simm.s32 $0x1;
	s6 =	smul.u32 s6, s8  }
0xd: {  	s13 =	smov.u32 s1;
	s12 =	smov.u32 s4;
	[sflag:s5] =	ssyncpa.u1 $0x0  }
0xe: {  	p0 =	por $0x0, $0x0;
	[sflag:s31] =	ssyncpa.u1 $0x0;
	s8 =	sadd.s32 $0x1, s6  }
.LBB1_4:
0xf: {  	s21 =	sshra.s32 s21, $0x2;
	s27 =	sshll.u32 s10, $0xA;
	s22 =	sshll.u32 s11, $0x3  }
0x10: {  	s23 =	sshll.u32 s10, $0x7;
	s24 =	sand.u32 $0x78, s11;
	p1 =	sgt.s32 s10, $0x18620  }
0x11: {  	s25 =	sshra.s32 s10, $0x1F;
	s26 =	sshra.s32 s11, $0x1F;
	s20 =	sadd.s32 s21, s20  }
0x12: {  	v5 =	vld [tilespmem:s18+$0xFFFFFFD0];
	[tilespmem:s19+$0x2040 ss:$0x81] =	vst.msk $0xffff, v4;
	s21 =	sand.u32 $0xFFFFE000, s27;
	s22 =	sand.u32 $0xFFFFFC00, s22;
	s28 =	sand.u32 $0x380, s23  }
0x13: {  	v58 =	vld [tilespmem:s18+$0xFFFFFFE0];
	[tilespmem:s19+$0x2850 ss:$0x81] =	vst.msk $0xffff, v3;
	s23 =	smov.u32 s10;
	s30 =	sand.u32 s25, s10;
	s25 =	smov.u32 s11  }
0x14: {  	v59 =	vld [tilespmem:s18+$0xFFFFFFF0];
	[tilespmem:s19+$0x3060 ss:$0x81] =	vst.msk $0xffff, v2;
	s31 =	sand.u32 s26, s11;
	s21 =	sadd.s32 s22, s21;
	s22 =	sor.u32 s24, s28  }
0x15: {  	v60 =	vld [tilespmem:s18+$0x0];
	[tilespmem:s19+$0x0 ss:$0x81] =	vst.msk $0xffff, v1;
	s23 =	simm.s32 @!p1 $0x18620;
	p1 =	sgt.s32 s11, $0x380;
	s21 =	sshrl.u32 s21, $0xA  }
0x16: {  	v61 =	vld [tilespmem:s18+$0x10];
	[tilespmem:s20+$0x3870 ss:$0x81] =	vst.msk $0xffff, v0;
	s19 =	ssub.s32 s23, s30;
	s25 =	simm.s32 @!p1 $0x380;
	s29 =	smulhi.u32 $0x53E2D7, s21  }
0x17: {  	v62 =	vld [tilespmem:s18+$0x20];
	s23 =	ssub.s32 s25, s31;
	s26 =	sadd.s32 $0xFFFE79E0, s19;
	s19 =	ssub.s32 $0x186A0, s19;
	[tilespmem:s20+$0x810 ss:$0x81] =	vst.msk $0xffff, v5  }
0x18: {  	v63 =	vld [tilespmem:s18+$0xFFFFFFC0];
	[tilespmem:s20+$0x1020 ss:$0x81] =	vst.msk $0xffff, v58;
	p1 =	sgt.s32 s26, $0x7F;
	s28 =	sadd.s32 $0xFFFFFC80, s23;
	s24 =	sshrl.u32 s29, $0x7  }
0x19: {  	[tilespmem:s20+$0x1830 ss:$0x81] =	vst.msk $0xffff, v59;
	s23 =	ssub.s32 $0x400, s23;
	p2 =	sgt.s32 s28, $0x7F;
	s27 =	smul.u32 $0x186A0, s24  }
0x1a: {  	s30 =	sand.u32 $0x7, s11;
	[tilespmem:s20+$0x2040 ss:$0x81] =	vst.msk $0xffff, v60;
	s19 =	simm.s32 @p1 $0x0;
	s23 =	simm.s32 @p2 $0x0  }
0x1b: {  	[tilespmem:s20+$0x2850 ss:$0x81] =	vst.msk $0xffff, v61;
	s29 =	sshrl.u32 s22, $0x3;
	s19 =	smul.u32 s23, s19;
	s18 =	ssub.s32 s21, s27  }
0x1c: {  	[tilespmem:s20+$0x3060 ss:$0x81] =	vst.msk $0xffff, v62;
	s22 =	sshll.u32 s30, $0x12;
	s21 =	sadd.s32 s3, s29;
	s18 =	sshll.u32 s18, $0x7  }
0x1d: {  	[tilespmem:s20+$0x0 ss:$0x81] =	vst.msk $0xffff, v63;
	s31 =	sor.u32 $0x400, s22;
	s19 =	sand.u32 $0x3FFFFFFF, s19;
	s18 =	sadd.s32 s18, s21  }
0x1e: {  	[hbm4b:s18+s31] =	stream.strided.scatter [tilespmem:s17], [sflag:$0x2], s19, s9, s31, $0x20;
	[tilespmem:$0x10100] =	vst v63  }
.LBB1_5:
0x1f: {  	p1 =	slt.u32 s14, $0x2  }
0x20: {  	s18 =	smov.u32 s16;
	p2 =	sgt.s32 @!p1 s16, $0x18620;
	s17 =	sshra.s32 @!p1 s16, $0x1F  }
0x21: {  	p3 =	sgt.s32 @!p1 s15, $0x380;
	s19 =	sshra.s32 @!p1 s15, $0x1F;
	p2 =	por !p2, p1  }
0x22: {  	s16 =	sand.u32 @!p1 s17, s16;
	p3 =	por !p3, p1;
	s17 =	smov.u32 s15  }
0x23: {  	s15 =	sand.u32 @!p1 s19, s15;
	s18 =	simm.s32 @p2 $0x18620;
	s17 =	simm.s32 @p3 $0x380  }
0x24: {  	s16 =	ssub.s32 @!p1 s18, s16;
	s15 =	ssub.s32 @!p1 s17, s15  }
0x25: {  	s19 =	smov.u32 s13;
	s17 =	sadd.s32 @!p1 $0xFFFE79E0, s16;
	s18 =	sadd.s32 @!p1 $0xFFFFFC80, s15  }
0x26: {  	s16 =	ssub.s32 @!p1 $0x186A0, s16;
	p2 =	sgt.s32 @!p1 s17, $0x7F;
	p3 =	sgt.s32 @!p1 s18, $0x7F  }
0x27: {  	s15 =	ssub.s32 @!p1 $0x400, s15;
	p2 =	por !p2, p1;
	p3 =	por !p3, p1  }
0x28: {  	s17 =	sadd.s32 $0x200, s12;
	s16 =	simm.s32 @!p2 $0x0;
	s15 =	simm.s32 @!p3 $0x0  }
0x29: {  	p2 =	sgt.s32 s17, $0x1869F;
	s15 =	smul.u32 @!p1 s15, s16;
	s16 =	sadd.s32 $0x400, s13  }
0x2a: {  	s19 =	smov.u32 @p2 s16  }
0x2b: {  	s17 =	smov.u32 @p2 s4;
	p2 =	sgt.s32 s19, $0x3FF  }
0x2c: {  	s19 =	smov.u32 @p2 s1;
	p2 =	sne.s32 s14, s8  }
.Ltmp1:
0x2d: {  	p0 =	por !p0, !p0;
	s18 =	simm.s32 @!p1 $0x2;
	(pc) =	sbr.rel @!p2 .LBB1_6-.Ltmp1, $4  }
0x2e: {  	s16 =	smov.u32 s10;
	s10 =	smov.u32 s12;
	s15 =	sand.u32 @!p1 $0x3FFFFFFF, s15  }
0x2f: {  	s12 =	smov.u32 s17;
	_ =	swait.ge @!p1 [sflag:s18], s15;
	s20 =	ssub.s32 @!p1 $0x0, s15  }
0x30: {  	s15 =	smov.u32 s11;
	s14 =	sadd.s32 $0x1, s14;
	[sflag:s18] =	ssyncset.done @!p1 $0x0  }
0x31: {  	s11 =	smov.u32 s13;
	s13 =	smov.u32 s19;
	[sflag:s18] =	ssyncadd.s32 @!p1 s20  }
.LBB1_1:
0x32: {  	p1 =	sge.u32 s14, s6  }
0x33: {  	s17 =	sshrl.u32 @!p1 s13, $0x3  }
0x34: {  	s18 =	sshll.u32 @!p1 s12, $0x3;
	s17 =	smul.u32 @!p1 $0xC3800, s17  }
0x35: {  	s19 =	sshll.u32 @!p1 s13, $0x7;
	s18 =	sand.u32 @!p1 $0xFFFFFC00, s18  }
0x36: {  	s17 =	sadd.s32 @!p1 s17, s18;
	s18 =	sand.u32 @!p1 $0x380, s19  }
0x37: {  	s19 =	sand.u32 @!p1 $0x7F, s12;
	s17 =	sor.u32 @!p1 s18, s17  }
0x38: {  	s18 =	sor.u32 @!p1 s19, s17  }
0x39: {  	s19 =	smulhi.u32 @!p1 $0xA79C7B17, s18;
	_ =	sdelay $0x1  }
0x3a: {  	s17 =	smulhi.u32 @!p1 $0xA79C7B17, s17;
	s19 =	sshrl.u32 @!p1 s19, $0x10  }
0x3b: {  	s19 =	smul.u32 @!p1 $0x18700, s19  }
0x3c: {  	s31 =	sadd.s32 $0xFFFFFFFF, s14;
	s20 =	sxor.u32 @!p1 $0xFFFFFFFF, s14;
	s17 =	sshrl.u32 @!p1 s17, $0x10  }
0x3d: {  	s20 =	sshll.u32 @!p1 s20, $0xE;
	s17 =	sand.u32 @!p1 $0x3FF, s17;
	s18 =	ssub.s32 @!p1 s18, s19  }
0x3e: {  	s17 =	smul.u32 @!p1 $0x30E0, s17;
	s19 =	sshrl.u32 @!p1 s18, $0x3;
	s18 =	sand.u32 @!p1 $0x7, s18  }
0x3f: {  	s20 =	sand.u32 @!p1 $0x4000, s20;
	s19 =	sadd.s32 @!p1 s7, s19;
	s18 =	sshll.u32 @!p1 s18, $0x12  }
0x40: {  	s17 =	sadd.s32 @!p1 s17, s19;
	s18 =	sor.u32 @!p1 $0x400, s18;
	s19 =	simm.s32 @!p1 $0xC3800  }
0x41: {  	[tilespmem:s20], [sflag:$0x1] =	stream.strided.gather @!p1 [hbm4b:s17+s18], $0x4000, s19, s18, $0x38;
	[tilespmem:$0x10100] =	vst v63  }
0x42: {  	p1 =	sge.u32 s31, s6  }
.Ltmp2:
0x43: {  	_ = 	snop;
	(pc) =	sbr.rel @p1 .LBB1_5-.Ltmp2, $1  }
0x44: {  	_ =	sdelay $0x3  }
0x45: {  	s17 =	simm.s32 $0x1  }
0x46: {  	_ =	swait.ge [sflag:s5], $0x4000;
	s17 =	simm.s32 @!p0 $0x0  }
0x47: {  	[sflag:s5] =	ssyncset.done $0x0;
	s18 =	sshll.u32 s17, $0xE  }
0x48: {  	[sflag:s5] =	ssyncadd.s32 $0xFFFFC000;
	s18 =	sor.u32 $0x40, s18  }
0x49: {  	s17 =	smul.u32 $0x10200, s17;
	v0 =	vld [tilespmem:s18+$0x30]  }
0x4a: {  	v1 =	vld [tilespmem:s18+$0xFFFFFFD0]  }
0x4b: {  	s17 =	sshrl.u32 s17, $0x2;
	v5 =	vld [tilespmem:s18+$0xFFFFFFE0]  }
0x4c: {  	v6 =	vld [tilespmem:s18+$0xFFFFFFF0];
	s20 =	sor.u32 $0x8000, s17  }
0x4d: {  	s31 =	sand.u32 $0x1, s14;
	v4 =	vld [tilespmem:s18+$0x0];
	s19 =	sadd.s32 $0x0, s20  }
0x4e: {  	v3 =	vld [tilespmem:s18+$0x10];
	s17 =	smul.u32 $0x10200, s31;
	[tilespmem:s19+$0x3870 ss:$0x81] =	vst.msk $0xffff, v0  }
0x4f: {  	v2 =	vld [tilespmem:s18+$0x20];
	[tilespmem:s19+$0x810 ss:$0x81] =	vst.msk $0xffff, v1  }
0x50: {  	s17 =	sshrl.u32 s17, $0x2;
	v1 =	vld [tilespmem:s18+$0xFFFFFFC0];
	[tilespmem:s19+$0x1020 ss:$0x81] =	vst.msk $0xffff, v5;
	s18 =	sadd.s32 $0x80, s18  }
0x51: {  	s21 =	simm.s32 $0x4;
	s22 =	simm.s32 $0x8;
	s17 =	sor.u32 $0x8000, s17;
	[tilespmem:s19+$0x1830 ss:$0x81] =	vst.msk $0xffff, v6;
	v0 =	vld [tilespmem:s18+$0x30]  }
.LBB1_3:
0x52: {  	p1 =	sne.s32 s22, $0x1FC;
	v5 =	vld [tilespmem:s18+$0xFFFFFFD0];
	[tilespmem:s19+$0x2040 ss:$0x81] =	vst.msk $0xffff, v4  }
0x53: {  	v6 =	vld [tilespmem:s18+$0xFFFFFFE0];
	[tilespmem:s19+$0x2850 ss:$0x81] =	vst.msk $0xffff, v3  }
0x54: {  	s23 =	sshra.s32 s21, $0x2;
	s21 =	smov.u32 s22;
	v7 =	vld [tilespmem:s18+$0xFFFFFFF0];
	[tilespmem:s19+$0x3060 ss:$0x81] =	vst.msk $0xffff, v2  }
.Ltmp3:
0x55: {  	v4 =	vld [tilespmem:s18+$0x0];
	[tilespmem:s19+$0x0 ss:$0x81] =	vst.msk $0xffff, v1;
	s19 =	sadd.s32 s23, s20;
	(pc) =	sbr.rel @p1 .LBB1_3-.Ltmp3, $4  }
0x56: {  	v3 =	vld [tilespmem:s18+$0x10];
	[tilespmem:s19+$0x3870 ss:$0x81] =	vst.msk $0xffff, v0  }
0x57: {  	[tilespmem:s19+$0x810 ss:$0x81] =	vst.msk $0xffff, v5;
	v2 =	vld [tilespmem:s18+$0x20]  }
0x58: {  	v1 =	vld [tilespmem:s18+$0xFFFFFFC0];
	[tilespmem:s19+$0x1020 ss:$0x81] =	vst.msk $0xffff, v6;
	s18 =	sadd.s32 $0x80, s18  }
0x59: {  	s22 =	sadd.s32 $0x4, s22;
	v0 =	vld [tilespmem:s18+$0x30];
	[tilespmem:s19+$0x1830 ss:$0x81] =	vst.msk $0xffff, v7  }
.Ltmp4:
0x5a: {  	_ = 	snop;
	(pc) =	sbr.rel .LBB1_4-.Ltmp4, $1  }
0x5b: {  	_ =	sdelay $0x3  }
.LBB1_6:
0x5c: {  	_ =	sfence.sel $0x180000  }
0x5d: {  	s1 =	simm.s32 $0x1;
	[bflag:$0x0] =	sbarrier.arrive $0xFFFF  }
0x5e: {  	s31 =	simm.s32 $0x2;
	[sflag:s1] =	ssyncpa.u1 $0x1  }
0x5f: {  	[sflag:s31] =	ssyncpa.u1 $0x1  }
0x60: {  	p0 =	sne.s32 s0, $0x0;
	_ =	strace $0x9000004A  }
0x61: {  	s0 =	sadd.s32 @!p0 $0x100000, s2;
	[bflag:$0x2] =	sbarrier.arrive $0xFFFF  }
0x62: {  	[sflag:s0] =	ssyncadd.tile.s32 @!p0 $0x1;
	_ =	shalt  }
.Lfunc_end1:
_tile_overlayer_lowered:
.L_overlay_start_2:
0x63: {  	(tag) =	ssettag $0x2  }
0x64: {  	s0 =	rddreg [dreg:$0x0];
	s2 =	stileid.u32  }
0x65: {  	s1 =	rddreg [dreg:$0x1];
	p0 =	sne.s32 s2, $0x0  }
0x66: {  	s3 =	rddreg [dreg:$0x2];
	[bflag:$0x3] =	sbarrier.arrive $0xFFFF;
	s2 =	simm.s32 @!p0 $0x1C01  }
0x67: {  	[timem:s3], [sflag:s2] =	dma.local @!p0 [hbm:s0], s1  }
0x68: {  	s0 =	simm.s32 @!p0 $0x1  }
0x69: {  	_ =	swait.ge @!p0 [sflag:s0], s1  }
0x6a: {  	s1 =	ssub.s32 @!p0 $0x0, s1;
	[sflag:s0] =	ssyncset.done @!p0 $0x0  }
0x6b: {  	[sflag:s0] =	ssyncadd.s32 @!p0 s1  }
0x6c: {  	[bflag:$0x3] =	sbarrier.arrive $0xFFFF  }
0x6d: {  	_ =	shalt  }

</sc_bundles>
